<compile_context>
chip_gen: v7x
topology: tpu7x:2x2x1
jax: 0.10.2.dev20260603
libtpu: 0.0.44.dev20260713+nightly
codegen_flags: <defaults>
</compile_context>

<pallas_src>
import functools

import jax
import jax.numpy as jnp
from jax import lax
from jax.experimental import pallas as pl
from jax.experimental.pallas import tpu as pltpu
from jax.experimental.pallas import tpu_sc as plsc

_N = 10000
_E = 160000
_D = 256
_HALF = 128
_B = 64
_T = 32
_C = 10

_NSUB = 16
_CHUNK = 128
_NCH = -(-_E // (_NSUB * _CHUNK))
_EPS = _NCH * _CHUNK
_EPAD = _NSUB * _EPS
_RPT = (_N // _NSUB) // 8 * 8
_TAIL = _N - _NSUB * _RPT
_NPAD = _N + 8

_f32 = jnp.float32


def _agg_body(xa, xb, srcp, dstp, oa, ob, sidx, didx, rows, acc, sem):
    c = lax.axis_index("c")
    s = lax.axis_index("s")

    pltpu.sync_copy(srcp.at[s], sidx)
    pltpu.sync_copy(dstp.at[s], didx)

    @pl.when(c == 0)
    def _():
        pltpu.sync_copy(xa.at[pl.ds(s * _RPT, _RPT)], acc.at[pl.ds(s * _RPT, _RPT)])

    @pl.when(c == 1)
    def _():
        pltpu.sync_copy(xb.at[pl.ds(s * _RPT, _RPT)], acc.at[pl.ds(s * _RPT, _RPT)])

    base = _NSUB * _RPT
    @pl.when((c == 0) & (s == 0))
    def _():
        pltpu.sync_copy(xa.at[pl.ds(base, _TAIL)], acc.at[pl.ds(base, _TAIL)])

    @pl.when((c == 1) & (s == 0))
    def _():
        pltpu.sync_copy(xb.at[pl.ds(base, _TAIL)], acc.at[pl.ds(base, _TAIL)])

    plsc.subcore_barrier()

    def chunk(j, carry):
        @pl.when(c == 0)
        def _():
            pltpu.async_copy(xa.at[sidx.at[j]], rows, sem).wait()

        @pl.when(c == 1)
        def _():
            pltpu.async_copy(xb.at[sidx.at[j]], rows, sem).wait()

        pltpu.sync_copy(rows, acc.at[didx.at[j]], add=True)
        return carry

    lax.fori_loop(0, _NCH, chunk, 0)
    plsc.subcore_barrier()

    @pl.when(c == 0)
    def _():
        pltpu.sync_copy(acc.at[pl.ds(s * _RPT, _RPT)], oa.at[pl.ds(s * _RPT, _RPT)])

    @pl.when(c == 1)
    def _():
        pltpu.sync_copy(acc.at[pl.ds(s * _RPT, _RPT)], ob.at[pl.ds(s * _RPT, _RPT)])

    @pl.when((c == 0) & (s == 0))
    def _():
        pltpu.sync_copy(acc.at[pl.ds(base, _TAIL)], oa.at[pl.ds(base, _TAIL)])

    @pl.when((c == 1) & (s == 0))
    def _():
        pltpu.sync_copy(acc.at[pl.ds(base, _TAIL)], ob.at[pl.ds(base, _TAIL)])


@functools.cache
def _agg_kernel():
    return pl.kernel(
        _agg_body,
        out_type=(
            jax.ShapeDtypeStruct((_N, _HALF), _f32),
            jax.ShapeDtypeStruct((_N, _HALF), _f32),
        ),
        mesh=plsc.VectorSubcoreMesh(
            core_axis_name="c", subcore_axis_name="s", num_cores=2,
            num_subcores=_NSUB),
        scratch_types=[
            pltpu.VMEM((_NCH, _CHUNK), jnp.int32),
            pltpu.VMEM((_NCH, _CHUNK), jnp.int32),
            pltpu.VMEM((_CHUNK, _HALF), _f32),
            pltpu.VMEM_SHARED((_NPAD, _HALF), _f32),
            pltpu.SemaphoreType.DMA,
        ],
        compiler_params=pltpu.CompilerParams(use_tc_tiling_on_sc=True),
    )


def _agg(xa, xb, srcp, dstp):
    return _agg_kernel()(xa, xb, srcp, dstp)


_ROWS = 2000
_G = _N // _ROWS


def _mlp1_body(pa, pb, w1t, s1, t1, w2t, b2, oa, ob):
    a = jnp.concatenate([pa[...], pb[...]], axis=1)
    h = jnp.dot(a, w1t[...], preferred_element_type=_f32)
    h = jnp.maximum(h * s1[...] + t1[...], 0.0)
    z = jnp.dot(h, w2t[...], preferred_element_type=_f32) + b2[...]
    z = jnp.maximum(z, 0.0)
    oa[...] = z[:, :_HALF]
    ob[...] = z[:, _HALF:]


def _mlp1(pa, pb, w1t, s1, t1, w2t, b2):
    row = pl.BlockSpec((_ROWS, _HALF), lambda i: (i, 0))
    mat = pl.BlockSpec((_D, _D), lambda i: (0, 0))
    vec = pl.BlockSpec((1, _D), lambda i: (0, 0))
    return pl.pallas_call(
        _mlp1_body,
        grid=(_G,),
        in_specs=[row, row, mat, vec, vec, mat, vec],
        out_specs=(row, row),
        out_shape=(
            jax.ShapeDtypeStruct((_N, _HALF), _f32),
            jax.ShapeDtypeStruct((_N, _HALF), _f32),
        ),
    )(pa, pb, w1t, s1, t1, w2t, b2)


def _mlp2pool_body(qa, qb, w3t, s2, t2, bt3, tv, wtt, btr, wca, wcb, bcr,
                   out, gs):
    i = pl.program_id(0)
    a = jnp.concatenate([qa[...], qb[...]], axis=1)
    h = jnp.dot(a, w3t[...], preferred_element_type=_f32)
    h = jnp.maximum(h * s2[...] + t2[...], 0.0)
    seg = lax.broadcasted_iota(jnp.int32, (_B, _ROWS), 0)
    onehot = (seg == bt3[0]).astype(_f32)
    part = jnp.dot(onehot, h, preferred_element_type=_f32)

    @pl.when(i == 0)
    def _():
        gs[...] = jnp.zeros_like(gs)

    gs[...] += part

    @pl.when(i == _G - 1)
    def _():
        gt = jnp.dot(tv[...], wtt[...], preferred_element_type=_f32) + btr[...]
        gt = jnp.maximum(gt, 0.0)
        out[...] = (
            jnp.dot(gs[...], wca[...], preferred_element_type=_f32)
            + jnp.dot(gt, wcb[...], preferred_element_type=_f32)
            + bcr[...]
        )


def _fix(*shape):
    return pl.BlockSpec(shape, lambda i, _s=shape: tuple(0 for _ in _s))


def _mlp2pool(qa, qb, w3t, s2, t2, bt3, tv, wtt, btr, wca, wcb, bcr):
    row = pl.BlockSpec((_ROWS, _HALF), lambda i: (i, 0))
    mat = pl.BlockSpec((_D, _D), lambda i: (0, 0))
    vec = pl.BlockSpec((1, _D), lambda i: (0, 0))
    out, _ = pl.pallas_call(
        _mlp2pool_body,
        grid=(_G,),
        in_specs=[row, row, mat, vec, vec,
                  pl.BlockSpec((1, 1, _ROWS), lambda i: (i, 0, 0)),
                  _fix(_B, _T), _fix(_T, _D), _fix(1, _D),
                  _fix(_D, _C), _fix(_D, _C), _fix(1, _C)],
        out_specs=(_fix(_B, _C), _fix(_B, _D)),
        out_shape=(
            jax.ShapeDtypeStruct((_B, _C), _f32),
            jax.ShapeDtypeStruct((_B, _D), _f32),
        ),
    )(qa, qb, w3t, s2, t2, bt3, tv, wtt, btr, wca, wcb, bcr)
    return out


def kernel(x, edge_index, batch, topo_vec, W1, b1, g1, be1, rm1, rv1,
           W2, b2, W3, b3, g2, be2, rm2, rv2, Wt, bt, Wc, bc):
    src = edge_index[0].astype(jnp.int32)
    dst = edge_index[1].astype(jnp.int32)
    pad = _EPAD - _E
    srcp = jnp.concatenate([src, jnp.zeros((pad,), jnp.int32)]).reshape(
        _NSUB, _NCH, _CHUNK)
    dstp = jnp.concatenate([dst, jnp.full((pad,), _N, jnp.int32)]).reshape(
        _NSUB, _NCH, _CHUNK)

    xa = x[:, :_HALF]
    xb = x[:, _HALF:]

    s1 = (g1 * lax.rsqrt(rv1 + 1e-5)).reshape(1, _D)
    t1 = ((b1 - rm1) * s1[0] + be1).reshape(1, _D)
    s2 = (g2 * lax.rsqrt(rv2 + 1e-5)).reshape(1, _D)
    t2 = ((b3 - rm2) * s2[0] + be2).reshape(1, _D)
    b2r = b2.reshape(1, _D)
    btr = bt.reshape(1, _D)
    bcr = bc.reshape(1, _C)
    wct = Wc.T
    bt3 = batch.astype(jnp.int32).reshape(_G, 1, _ROWS)

    pa, pb = _agg(xa, xb, srcp, dstp)
    ha, hb = _mlp1(pa, pb, W1.T, s1, t1, W2.T, b2r)
    qa, qb = _agg(ha, hb, srcp, dstp)
    return _mlp2pool(qa, qb, W3.T, s2, t2, bt3, topo_vec, Wt.T, btr,
                     wct[:_D], wct[_D:], bcr)

# --- scband reference (transcript-rebuilt; emitter-appended) ---
"""Pipeline reference for scband-topo-gin-51857435132130 (READ-ONLY COPY).

The authoritative reference and input builder live on the scoring server;
editing this copy changes nothing except your own understanding.
"""

import jax, jax.numpy as jnp
import numpy as np

N = 10000
E = 160000
D = 256
H = 256
T = 32
B = 64
C = 10


def _lin_init(k, o, i):
    k1, k2 = jax.random.split(k)
    s = 1.0 / np.sqrt(i)
    W = jax.random.uniform(k1, (o, i), jnp.float32, -s, s)
    b = jax.random.uniform(k2, (o,), jnp.float32, -s, s)
    return W, b


def setup_inputs(seed: int = 0) -> dict:
    key = jax.random.key(seed)
    ks = jax.random.split(key, 12)
    x = jax.random.normal(ks[0], (N, D), jnp.float32)
    edge_index = jax.random.randint(ks[1], (2, E), 0, N)
    batch = jnp.sort(jax.random.randint(ks[2], (N,), 0, B))
    batch = batch.at[N - 1].set(B - 1)  # ensure all B graphs present
    topo_vec = jax.random.normal(ks[3], (B, T), jnp.float32)
    W1, b1 = _lin_init(ks[4], H, D)
    W2, b2 = _lin_init(ks[5], H, H)
    W3, b3 = _lin_init(ks[6], H, H)
    Wt, bt = _lin_init(ks[7], H, T)
    Wc, bc = _lin_init(ks[8], C, 2 * H)
    return {
        'x': x, 'edge_index': edge_index, 'batch': batch, 'topo_vec': topo_vec,
        'W1': W1, 'b1': b1, 'g1': jnp.ones(H, jnp.float32), 'be1': jnp.zeros(H, jnp.float32),
        'rm1': jnp.zeros(H, jnp.float32), 'rv1': jnp.ones(H, jnp.float32),
        'W2': W2, 'b2': b2,
        'W3': W3, 'b3': b3, 'g2': jnp.ones(H, jnp.float32), 'be2': jnp.zeros(H, jnp.float32),
        'rm2': jnp.zeros(H, jnp.float32), 'rv2': jnp.ones(H, jnp.float32),
        'Wt': Wt, 'bt': bt, 'Wc': Wc, 'bc': bc,
    }


def _bn(h, g, b, rm, rv):
    # BatchNorm1d in eval mode (running stats)
    return (h - rm) / jnp.sqrt(rv + 1e-5) * g + b


def _reshape_topo(tv, B_, T_):
    if tv.ndim == 1:
        if tv.size == B_ * T_:
            return tv.reshape(B_, T_)
        if tv.size == T_:
            return jnp.broadcast_to(tv.reshape(1, T_), (B_, T_))
        return tv.reshape(B_, -1)
    if tv.ndim == 2:
        if tv.shape[0] == B_:
            return tv
        if tv.shape[0] == 1 and B_ > 1:
            return jnp.broadcast_to(tv, (B_, tv.shape[1]))
        if tv.size == B_ * T_:
            return tv.reshape(B_, T_)
    flat = tv.reshape(-1)
    if flat.size < B_ * T_:
        flat = jnp.concatenate([flat, jnp.zeros(B_ * T_ - flat.size, flat.dtype)])
    return flat[:B_ * T_].reshape(B_, T_)


def reference(x, edge_index, batch, topo_vec, W1, b1, g1, be1, rm1, rv1, W2, b2, W3, b3, g2, be2, rm2, rv2, Wt, bt, Wc, bc):
    src, dst = edge_index[0], edge_index[1]
    # GINConv 1: (1+eps)*x + sum_neighbors, eps=0
    agg = jnp.zeros_like(x).at[dst].add(x[src])
    h = x + agg
    h = h @ W1.T + b1
    h = _bn(h, g1, be1, rm1, rv1)
    h = jax.nn.relu(h)
    h = h @ W2.T + b2
    h = jax.nn.relu(h)
    h = jax.nn.relu(h)  # outer F.relu after conv1
    # dropout is identity in eval mode
    # GINConv 2
    agg2 = jnp.zeros_like(h).at[dst].add(h[src])
    h2 = h + agg2
    h2 = h2 @ W3.T + b3
    h2 = _bn(h2, g2, be2, rm2, rv2)
    h2 = jax.nn.relu(h2)
    h2 = jax.nn.relu(h2)  # outer F.relu after conv2
    Bn = topo_vec.shape[0]
    g_struct = jax.ops.segment_sum(h2, batch, num_segments=Bn)
    tv = _reshape_topo(topo_vec, Bn, T)
    g_topo = jax.nn.relu(tv @ Wt.T + bt)
    g = jnp.concatenate([g_struct, g_topo], axis=1)
    return g @ Wc.T + bc

if __name__ == "__main__":
    import jax
    _d = setup_inputs()
    print(jax.jit(kernel)(*tuple(_d.values())))

</pallas_src>

<mosaic_0001>
#map = affine_map<(d0, d1) -> (0, 0)>
#map1 = affine_map<(d0, d1) -> (0, 0, 0)>
module attributes {stable_mosaic.version = 14 : i64} {
  func.func @_agg_body(%arg0: i32, %arg1: i32, %arg2: memref<10000x128xf32, #tpu.memory_space<hbm>>, %arg3: memref<10000x128xf32, #tpu.memory_space<hbm>>, %arg4: memref<16x79x128xi32, #tpu.memory_space<hbm>>, %arg5: memref<16x79x128xi32, #tpu.memory_space<hbm>>, %arg6: memref<10000x128xf32, #tpu.memory_space<hbm>>, %arg7: memref<10000x128xf32, #tpu.memory_space<hbm>>, %arg8: memref<79x128xi32, #tpu.memory_space<vmem>>, %arg9: memref<79x128xi32, #tpu.memory_space<vmem>>, %arg10: memref<128x128xf32, #tpu.memory_space<vmem>>, %arg11: memref<10008x128xf32, #tpu.memory_space<vmem_shared>>, %arg12: memref<!tpu.dma_semaphore, #tpu.memory_space<semaphore_mem>>) attributes {dimension_semantics = [#tpu.dimension_semantics<core_parallel>, #tpu.dimension_semantics<subcore_parallel>], iteration_bounds = array<i64: 2, 16>, scalar_prefetch = 0 : i64, scratch_operands = 5 : i64, tpu.core_type = #tpu.core_type<sc_vector_subcore>, window_params = [{transform_indices = #map}, {transform_indices = #map}, {transform_indices = #map1}, {transform_indices = #map1}, {transform_indices = #map}, {transform_indices = #map}]} {
    "tpu.region"() ({
      %run_scoped3A = tpu.sem_alloc : memref<!tpu.dma_semaphore, #tpu.memory_space<semaphore_mem>>
      %dma_start3A = arith.constant 0 : i32
      %dma_start3A_54 = arith.constant 0 : i32
      %dma_start3A_55 = tpu.memref_slice %arg4[%arg1, %dma_start3A, %dma_start3A_54] : memref<16x79x128xi32, #tpu.memory_space<hbm>> -> memref<1x79x128xi32, #tpu.memory_space<hbm>>
      %dma_start3A_56 = tpu.memref_squeeze %dma_start3A_55 : memref<1x79x128xi32, #tpu.memory_space<hbm>> -> memref<79x128xi32, #tpu.memory_space<hbm>>
      %dma_start3A_57 = arith.constant 0 : i32
      %dma_start3A_58 = arith.constant 0 : i32
      %dma_start3A_59 = tpu.memref_slice %arg4[%arg1, %dma_start3A_57, %dma_start3A_58] : memref<16x79x128xi32, #tpu.memory_space<hbm>> -> memref<1x79x128xi32, #tpu.memory_space<hbm>>
      %dma_start3A_60 = tpu.memref_squeeze %dma_start3A_59 : memref<1x79x128xi32, #tpu.memory_space<hbm>> -> memref<79x128xi32, #tpu.memory_space<hbm>>
      tpu.enqueue_dma source(%dma_start3A_60 : memref<79x128xi32, #tpu.memory_space<hbm>>) target(%arg8 : memref<79x128xi32, #tpu.memory_space<vmem>>) target_semaphore(%run_scoped3A : memref<!tpu.dma_semaphore, #tpu.memory_space<semaphore_mem>>)
      %dma_wait3A = arith.constant 0 : i32
      %dma_wait3A_61 = arith.constant 0 : i32
      %dma_wait3A_62 = tpu.memref_slice %arg4[%arg1, %dma_wait3A, %dma_wait3A_61] : memref<16x79x128xi32, #tpu.memory_space<hbm>> -> memref<1x79x128xi32, #tpu.memory_space<hbm>>
      %dma_wait3A_63 = tpu.memref_squeeze %dma_wait3A_62 : memref<1x79x128xi32, #tpu.memory_space<hbm>> -> memref<79x128xi32, #tpu.memory_space<hbm>>
      %dma_wait3A_64 = arith.constant 0 : i32
      %dma_wait3A_65 = arith.constant 0 : i32
      %dma_wait3A_66 = tpu.memref_slice %arg4[%arg1, %dma_wait3A_64, %dma_wait3A_65] : memref<16x79x128xi32, #tpu.memory_space<hbm>> -> memref<1x79x128xi32, #tpu.memory_space<hbm>>
      %dma_wait3A_67 = tpu.memref_squeeze %dma_wait3A_66 : memref<1x79x128xi32, #tpu.memory_space<hbm>> -> memref<79x128xi32, #tpu.memory_space<hbm>>
      tpu.wait_dma2 semaphore(%run_scoped3A : memref<!tpu.dma_semaphore, #tpu.memory_space<semaphore_mem>>) src(%dma_wait3A_67 : memref<79x128xi32, #tpu.memory_space<hbm>>) dst(%arg8 : memref<79x128xi32, #tpu.memory_space<vmem>>)
      tpu.yield
    }) : () -> ()
    "tpu.region"() ({
      %run_scoped3A = tpu.sem_alloc : memref<!tpu.dma_semaphore, #tpu.memory_space<semaphore_mem>>
      %dma_start3A = arith.constant 0 : i32
      %dma_start3A_54 = arith.constant 0 : i32
      %dma_start3A_55 = tpu.memref_slice %arg5[%arg1, %dma_start3A, %dma_start3A_54] : memref<16x79x128xi32, #tpu.memory_space<hbm>> -> memref<1x79x128xi32, #tpu.memory_space<hbm>>
      %dma_start3A_56 = tpu.memref_squeeze %dma_start3A_55 : memref<1x79x128xi32, #tpu.memory_space<hbm>> -> memref<79x128xi32, #tpu.memory_space<hbm>>
      %dma_start3A_57 = arith.constant 0 : i32
      %dma_start3A_58 = arith.constant 0 : i32
      %dma_start3A_59 = tpu.memref_slice %arg5[%arg1, %dma_start3A_57, %dma_start3A_58] : memref<16x79x128xi32, #tpu.memory_space<hbm>> -> memref<1x79x128xi32, #tpu.memory_space<hbm>>
      %dma_start3A_60 = tpu.memref_squeeze %dma_start3A_59 : memref<1x79x128xi32, #tpu.memory_space<hbm>> -> memref<79x128xi32, #tpu.memory_space<hbm>>
      tpu.enqueue_dma source(%dma_start3A_60 : memref<79x128xi32, #tpu.memory_space<hbm>>) target(%arg9 : memref<79x128xi32, #tpu.memory_space<vmem>>) target_semaphore(%run_scoped3A : memref<!tpu.dma_semaphore, #tpu.memory_space<semaphore_mem>>)
      %dma_wait3A = arith.constant 0 : i32
      %dma_wait3A_61 = arith.constant 0 : i32
      %dma_wait3A_62 = tpu.memref_slice %arg5[%arg1, %dma_wait3A, %dma_wait3A_61] : memref<16x79x128xi32, #tpu.memory_space<hbm>> -> memref<1x79x128xi32, #tpu.memory_space<hbm>>
      %dma_wait3A_63 = tpu.memref_squeeze %dma_wait3A_62 : memref<1x79x128xi32, #tpu.memory_space<hbm>> -> memref<79x128xi32, #tpu.memory_space<hbm>>
      %dma_wait3A_64 = arith.constant 0 : i32
      %dma_wait3A_65 = arith.constant 0 : i32
      %dma_wait3A_66 = tpu.memref_slice %arg5[%arg1, %dma_wait3A_64, %dma_wait3A_65] : memref<16x79x128xi32, #tpu.memory_space<hbm>> -> memref<1x79x128xi32, #tpu.memory_space<hbm>>
      %dma_wait3A_67 = tpu.memref_squeeze %dma_wait3A_66 : memref<1x79x128xi32, #tpu.memory_space<hbm>> -> memref<79x128xi32, #tpu.memory_space<hbm>>
      tpu.wait_dma2 semaphore(%run_scoped3A : memref<!tpu.dma_semaphore, #tpu.memory_space<semaphore_mem>>) src(%dma_wait3A_67 : memref<79x128xi32, #tpu.memory_space<hbm>>) dst(%arg9 : memref<79x128xi32, #tpu.memory_space<vmem>>)
      tpu.yield
    }) : () -> ()
    %eq3A = arith.constant 0 : i32
    %eq3A_0 = arith.cmpi eq, %arg0, %eq3A : i32
    %convert_element_type3A = arith.extui %eq3A_0 : i1 to i32
    %cond3A = arith.constant 0 : i32
    %cond3A_1 = arith.cmpi ne, %convert_element_type3A, %cond3A : i32
    scf.if %cond3A_1 {
      %mul3A = arith.constant 624 : i32
      %mul3A_54 = arith.muli %arg1, %mul3A : i32
      %mul3A_55 = arith.constant 624 : i32
      %mul3A_56 = arith.muli %arg1, %mul3A_55 : i32
      "tpu.region"() ({
        %run_scoped3A = tpu.sem_alloc : memref<!tpu.dma_semaphore, #tpu.memory_space<semaphore_mem>>
        %dma_start3A = arith.constant 0 : i32
        %dma_start3A_57 = tpu.memref_slice %arg11[%mul3A_56, %dma_start3A] : memref<10008x128xf32, #tpu.memory_space<vmem_shared>> -> memref<624x128xf32, #tpu.memory_space<vmem_shared>>
        %dma_start3A_58 = arith.constant 0 : i32
        %dma_start3A_59 = tpu.memref_slice %arg2[%mul3A_54, %dma_start3A_58] : memref<10000x128xf32, #tpu.memory_space<hbm>> -> memref<624x128xf32, #tpu.memory_space<hbm>>
        tpu.enqueue_dma source(%dma_start3A_59 : memref<624x128xf32, #tpu.memory_space<hbm>>) target(%dma_start3A_57 : memref<624x128xf32, #tpu.memory_space<vmem_shared>>) target_semaphore(%run_scoped3A : memref<!tpu.dma_semaphore, #tpu.memory_space<semaphore_mem>>)
        %dma_wait3A = arith.constant 0 : i32
        %dma_wait3A_60 = tpu.memref_slice %arg11[%mul3A_56, %dma_wait3A] : memref<10008x128xf32, #tpu.memory_space<vmem_shared>> -> memref<624x128xf32, #tpu.memory_space<vmem_shared>>
        %dma_wait3A_61 = arith.constant 0 : i32
        %dma_wait3A_62 = tpu.memref_slice %arg2[%mul3A_54, %dma_wait3A_61] : memref<10000x128xf32, #tpu.memory_space<hbm>> -> memref<624x128xf32, #tpu.memory_space<hbm>>
        tpu.wait_dma2 semaphore(%run_scoped3A : memref<!tpu.dma_semaphore, #tpu.memory_space<semaphore_mem>>) src(%dma_wait3A_62 : memref<624x128xf32, #tpu.memory_space<hbm>>) dst(%dma_wait3A_60 : memref<624x128xf32, #tpu.memory_space<vmem_shared>>)
        tpu.yield
      }) : () -> ()
    } else {
    }
    %eq3A_2 = arith.constant 1 : i32
    %eq3A_3 = arith.cmpi eq, %arg0, %eq3A_2 : i32
    %convert_element_type3A_4 = arith.extui %eq3A_3 : i1 to i32
    %cond3A_5 = arith.constant 0 : i32
    %cond3A_6 = arith.cmpi ne, %convert_element_type3A_4, %cond3A_5 : i32
    scf.if %cond3A_6 {
      %mul3A = arith.constant 624 : i32
      %mul3A_54 = arith.muli %arg1, %mul3A : i32
      %mul3A_55 = arith.constant 624 : i32
      %mul3A_56 = arith.muli %arg1, %mul3A_55 : i32
      "tpu.region"() ({
        %run_scoped3A = tpu.sem_alloc : memref<!tpu.dma_semaphore, #tpu.memory_space<semaphore_mem>>
        %dma_start3A = arith.constant 0 : i32
        %dma_start3A_57 = tpu.memref_slice %arg11[%mul3A_56, %dma_start3A] : memref<10008x128xf32, #tpu.memory_space<vmem_shared>> -> memref<624x128xf32, #tpu.memory_space<vmem_shared>>
        %dma_start3A_58 = arith.constant 0 : i32
        %dma_start3A_59 = tpu.memref_slice %arg3[%mul3A_54, %dma_start3A_58] : memref<10000x128xf32, #tpu.memory_space<hbm>> -> memref<624x128xf32, #tpu.memory_space<hbm>>
        tpu.enqueue_dma source(%dma_start3A_59 : memref<624x128xf32, #tpu.memory_space<hbm>>) target(%dma_start3A_57 : memref<624x128xf32, #tpu.memory_space<vmem_shared>>) target_semaphore(%run_scoped3A : memref<!tpu.dma_semaphore, #tpu.memory_space<semaphore_mem>>)
        %dma_wait3A = arith.constant 0 : i32
        %dma_wait3A_60 = tpu.memref_slice %arg11[%mul3A_56, %dma_wait3A] : memref<10008x128xf32, #tpu.memory_space<vmem_shared>> -> memref<624x128xf32, #tpu.memory_space<vmem_shared>>
        %dma_wait3A_61 = arith.constant 0 : i32
        %dma_wait3A_62 = tpu.memref_slice %arg3[%mul3A_54, %dma_wait3A_61] : memref<10000x128xf32, #tpu.memory_space<hbm>> -> memref<624x128xf32, #tpu.memory_space<hbm>>
        tpu.wait_dma2 semaphore(%run_scoped3A : memref<!tpu.dma_semaphore, #tpu.memory_space<semaphore_mem>>) src(%dma_wait3A_62 : memref<624x128xf32, #tpu.memory_space<hbm>>) dst(%dma_wait3A_60 : memref<624x128xf32, #tpu.memory_space<vmem_shared>>)
        tpu.yield
      }) : () -> ()
    } else {
    }
    %eq3A_7 = arith.constant 0 : i32
    %eq3A_8 = arith.cmpi eq, %arg0, %eq3A_7 : i32
    %eq3A_9 = arith.constant 0 : i32
    %eq3A_10 = arith.cmpi eq, %arg1, %eq3A_9 : i32
    %and3A = arith.andi %eq3A_8, %eq3A_10 : i1
    %convert_element_type3A_11 = arith.extui %and3A : i1 to i32
    %cond3A_12 = arith.constant 0 : i32
    %cond3A_13 = arith.cmpi ne, %convert_element_type3A_11, %cond3A_12 : i32
    scf.if %cond3A_13 {
      "tpu.region"() ({
        %run_scoped3A = tpu.sem_alloc : memref<!tpu.dma_semaphore, #tpu.memory_space<semaphore_mem>>
        %dma_start3A = arith.constant 9984 : i32
        %dma_start3A_54 = arith.constant 0 : i32
        %dma_start3A_55 = tpu.memref_slice %arg11[%dma_start3A, %dma_start3A_54] : memref<10008x128xf32, #tpu.memory_space<vmem_shared>> -> memref<16x128xf32, #tpu.memory_space<vmem_shared>>
        %dma_start3A_56 = arith.constant 9984 : i32
        %dma_start3A_57 = arith.constant 0 : i32
        %dma_start3A_58 = tpu.memref_slice %arg2[%dma_start3A_56, %dma_start3A_57] : memref<10000x128xf32, #tpu.memory_space<hbm>> -> memref<16x128xf32, #tpu.memory_space<hbm>>
        tpu.enqueue_dma source(%dma_start3A_58 : memref<16x128xf32, #tpu.memory_space<hbm>>) target(%dma_start3A_55 : memref<16x128xf32, #tpu.memory_space<vmem_shared>>) target_semaphore(%run_scoped3A : memref<!tpu.dma_semaphore, #tpu.memory_space<semaphore_mem>>)
        %dma_wait3A = arith.constant 9984 : i32
        %dma_wait3A_59 = arith.constant 0 : i32
        %dma_wait3A_60 = tpu.memref_slice %arg11[%dma_wait3A, %dma_wait3A_59] : memref<10008x128xf32, #tpu.memory_space<vmem_shared>> -> memref<16x128xf32, #tpu.memory_space<vmem_shared>>
        %dma_wait3A_61 = arith.constant 9984 : i32
        %dma_wait3A_62 = arith.constant 0 : i32
        %dma_wait3A_63 = tpu.memref_slice %arg2[%dma_wait3A_61, %dma_wait3A_62] : memref<10000x128xf32, #tpu.memory_space<hbm>> -> memref<16x128xf32, #tpu.memory_space<hbm>>
        tpu.wait_dma2 semaphore(%run_scoped3A : memref<!tpu.dma_semaphore, #tpu.memory_space<semaphore_mem>>) src(%dma_wait3A_63 : memref<16x128xf32, #tpu.memory_space<hbm>>) dst(%dma_wait3A_60 : memref<16x128xf32, #tpu.memory_space<vmem_shared>>)
        tpu.yield
      }) : () -> ()
    } else {
    }
    %eq3A_14 = arith.constant 1 : i32
    %eq3A_15 = arith.cmpi eq, %arg0, %eq3A_14 : i32
    %eq3A_16 = arith.constant 0 : i32
    %eq3A_17 = arith.cmpi eq, %arg1, %eq3A_16 : i32
    %and3A_18 = arith.andi %eq3A_15, %eq3A_17 : i1
    %convert_element_type3A_19 = arith.extui %and3A_18 : i1 to i32
    %cond3A_20 = arith.constant 0 : i32
    %cond3A_21 = arith.cmpi ne, %convert_element_type3A_19, %cond3A_20 : i32
    scf.if %cond3A_21 {
      "tpu.region"() ({
        %run_scoped3A = tpu.sem_alloc : memref<!tpu.dma_semaphore, #tpu.memory_space<semaphore_mem>>
        %dma_start3A = arith.constant 9984 : i32
        %dma_start3A_54 = arith.constant 0 : i32
        %dma_start3A_55 = tpu.memref_slice %arg11[%dma_start3A, %dma_start3A_54] : memref<10008x128xf32, #tpu.memory_space<vmem_shared>> -> memref<16x128xf32, #tpu.memory_space<vmem_shared>>
        %dma_start3A_56 = arith.constant 9984 : i32
        %dma_start3A_57 = arith.constant 0 : i32
        %dma_start3A_58 = tpu.memref_slice %arg3[%dma_start3A_56, %dma_start3A_57] : memref<10000x128xf32, #tpu.memory_space<hbm>> -> memref<16x128xf32, #tpu.memory_space<hbm>>
        tpu.enqueue_dma source(%dma_start3A_58 : memref<16x128xf32, #tpu.memory_space<hbm>>) target(%dma_start3A_55 : memref<16x128xf32, #tpu.memory_space<vmem_shared>>) target_semaphore(%run_scoped3A : memref<!tpu.dma_semaphore, #tpu.memory_space<semaphore_mem>>)
        %dma_wait3A = arith.constant 9984 : i32
        %dma_wait3A_59 = arith.constant 0 : i32
        %dma_wait3A_60 = tpu.memref_slice %arg11[%dma_wait3A, %dma_wait3A_59] : memref<10008x128xf32, #tpu.memory_space<vmem_shared>> -> memref<16x128xf32, #tpu.memory_space<vmem_shared>>
        %dma_wait3A_61 = arith.constant 9984 : i32
        %dma_wait3A_62 = arith.constant 0 : i32
        %dma_wait3A_63 = tpu.memref_slice %arg3[%dma_wait3A_61, %dma_wait3A_62] : memref<10000x128xf32, #tpu.memory_space<hbm>> -> memref<16x128xf32, #tpu.memory_space<hbm>>
        tpu.wait_dma2 semaphore(%run_scoped3A : memref<!tpu.dma_semaphore, #tpu.memory_space<semaphore_mem>>) src(%dma_wait3A_63 : memref<16x128xf32, #tpu.memory_space<hbm>>) dst(%dma_wait3A_60 : memref<16x128xf32, #tpu.memory_space<vmem_shared>>)
        tpu.yield
      }) : () -> ()
    } else {
    }
    %barrier3A = arith.constant 0 : index
    tpu.barrier barrier_id(%barrier3A)
    %scan3A = arith.constant 0 : i32
    %scan3A_22 = arith.constant 0 : i32
    %scan3A_23 = arith.constant 79 : i32
    %scan3A_24 = arith.addi %scan3A_22, %scan3A_23 : i32
    %scan3A_25 = arith.constant 1 : i32
    scf.for %scan3A_54 = %scan3A_22 to %scan3A_24 step %scan3A_25  : i32 {
      %eq3A_55 = arith.constant 0 : i32
      %eq3A_56 = arith.cmpi eq, %arg0, %eq3A_55 : i32
      %convert_element_type3A_57 = arith.extui %eq3A_56 : i1 to i32
      %cond3A_58 = arith.constant 0 : i32
      %cond3A_59 = arith.cmpi ne, %convert_element_type3A_57, %cond3A_58 : i32
      scf.if %cond3A_59 {
        %dma_start3A = arith.constant 0 : i32
        %dma_start3A_65 = tpu.memref_slice %arg8[%scan3A_54, %dma_start3A] : memref<79x128xi32, #tpu.memory_space<vmem>> -> memref<1x128xi32, #tpu.memory_space<vmem>>
        %dma_start3A_66 = tpu.memref_squeeze %dma_start3A_65 : memref<1x128xi32, #tpu.memory_space<vmem>> -> memref<128xi32, #tpu.memory_space<vmem>>
        %dma_start3A_67 = arith.constant 0 : i32
        %dma_start3A_68 = arith.constant 0 : i32
        %dma_start3A_69 = tpu.memref_slice %arg2[%dma_start3A_67, %dma_start3A_68] : memref<10000x128xf32, #tpu.memory_space<hbm>> -> memref<10000x128xf32, #tpu.memory_space<hbm>>
        tpu.enqueue_indirect_dma source(%dma_start3A_69 : memref<10000x128xf32, #tpu.memory_space<hbm>>) target(%arg10 : memref<128x128xf32, #tpu.memory_space<vmem>>) offsets(%dma_start3A_66 : memref<128xi32, #tpu.memory_space<vmem>>) semaphore(%arg12 : memref<!tpu.dma_semaphore, #tpu.memory_space<semaphore_mem>>)
        %dma_wait3A = arith.constant 0 : i32
        %dma_wait3A_70 = tpu.memref_slice %arg8[%scan3A_54, %dma_wait3A] : memref<79x128xi32, #tpu.memory_space<vmem>> -> memref<1x128xi32, #tpu.memory_space<vmem>>
        %dma_wait3A_71 = tpu.memref_squeeze %dma_wait3A_70 : memref<1x128xi32, #tpu.memory_space<vmem>> -> memref<128xi32, #tpu.memory_space<vmem>>
        %dma_wait3A_72 = arith.constant 0 : i32
        %dma_wait3A_73 = arith.constant 0 : i32
        %dma_wait3A_74 = tpu.memref_slice %arg2[%dma_wait3A_72, %dma_wait3A_73] : memref<10000x128xf32, #tpu.memory_space<hbm>> -> memref<10000x128xf32, #tpu.memory_space<hbm>>
        tpu.wait_indirect_dma semaphore(%arg12 : memref<!tpu.dma_semaphore, #tpu.memory_space<semaphore_mem>>) src(%dma_wait3A_74 : memref<10000x128xf32, #tpu.memory_space<hbm>>) dst(%arg10 : memref<128x128xf32, #tpu.memory_space<vmem>>)
      } else {
      }
      %eq3A_60 = arith.constant 1 : i32
      %eq3A_61 = arith.cmpi eq, %arg0, %eq3A_60 : i32
      %convert_element_type3A_62 = arith.extui %eq3A_61 : i1 to i32
      %cond3A_63 = arith.constant 0 : i32
      %cond3A_64 = arith.cmpi ne, %convert_element_type3A_62, %cond3A_63 : i32
      scf.if %cond3A_64 {
        %dma_start3A = arith.constant 0 : i32
        %dma_start3A_65 = tpu.memref_slice %arg8[%scan3A_54, %dma_start3A] : memref<79x128xi32, #tpu.memory_space<vmem>> -> memref<1x128xi32, #tpu.memory_space<vmem>>
        %dma_start3A_66 = tpu.memref_squeeze %dma_start3A_65 : memref<1x128xi32, #tpu.memory_space<vmem>> -> memref<128xi32, #tpu.memory_space<vmem>>
        %dma_start3A_67 = arith.constant 0 : i32
        %dma_start3A_68 = arith.constant 0 : i32
        %dma_start3A_69 = tpu.memref_slice %arg3[%dma_start3A_67, %dma_start3A_68] : memref<10000x128xf32, #tpu.memory_space<hbm>> -> memref<10000x128xf32, #tpu.memory_space<hbm>>
        tpu.enqueue_indirect_dma source(%dma_start3A_69 : memref<10000x128xf32, #tpu.memory_space<hbm>>) target(%arg10 : memref<128x128xf32, #tpu.memory_space<vmem>>) offsets(%dma_start3A_66 : memref<128xi32, #tpu.memory_space<vmem>>) semaphore(%arg12 : memref<!tpu.dma_semaphore, #tpu.memory_space<semaphore_mem>>)
        %dma_wait3A = arith.constant 0 : i32
        %dma_wait3A_70 = tpu.memref_slice %arg8[%scan3A_54, %dma_wait3A] : memref<79x128xi32, #tpu.memory_space<vmem>> -> memref<1x128xi32, #tpu.memory_space<vmem>>
        %dma_wait3A_71 = tpu.memref_squeeze %dma_wait3A_70 : memref<1x128xi32, #tpu.memory_space<vmem>> -> memref<128xi32, #tpu.memory_space<vmem>>
        %dma_wait3A_72 = arith.constant 0 : i32
        %dma_wait3A_73 = arith.constant 0 : i32
        %dma_wait3A_74 = tpu.memref_slice %arg3[%dma_wait3A_72, %dma_wait3A_73] : memref<10000x128xf32, #tpu.memory_space<hbm>> -> memref<10000x128xf32, #tpu.memory_space<hbm>>
        tpu.wait_indirect_dma semaphore(%arg12 : memref<!tpu.dma_semaphore, #tpu.memory_space<semaphore_mem>>) src(%dma_wait3A_74 : memref<10000x128xf32, #tpu.memory_space<hbm>>) dst(%arg10 : memref<128x128xf32, #tpu.memory_space<vmem>>)
      } else {
      }
      "tpu.region"() ({
        %run_scoped3A = tpu.sem_alloc : memref<!tpu.dma_semaphore, #tpu.memory_space<semaphore_mem>>
        %dma_start3A = arith.constant 0 : i32
        %dma_start3A_65 = tpu.memref_slice %arg9[%scan3A_54, %dma_start3A] : memref<79x128xi32, #tpu.memory_space<vmem>> -> memref<1x128xi32, #tpu.memory_space<vmem>>
        %dma_start3A_66 = tpu.memref_squeeze %dma_start3A_65 : memref<1x128xi32, #tpu.memory_space<vmem>> -> memref<128xi32, #tpu.memory_space<vmem>>
        %dma_start3A_67 = arith.constant 0 : i32
        %dma_start3A_68 = arith.constant 0 : i32
        %dma_start3A_69 = tpu.memref_slice %arg11[%dma_start3A_67, %dma_start3A_68] : memref<10008x128xf32, #tpu.memory_space<vmem_shared>> -> memref<10008x128xf32, #tpu.memory_space<vmem_shared>>
        tpu.enqueue_indirect_dma source(%arg10 : memref<128x128xf32, #tpu.memory_space<vmem>>) target(%dma_start3A_69 : memref<10008x128xf32, #tpu.memory_space<vmem_shared>>) offsets(%dma_start3A_66 : memref<128xi32, #tpu.memory_space<vmem>>) semaphore(%run_scoped3A : memref<!tpu.dma_semaphore, #tpu.memory_space<semaphore_mem>>) {add = true}
        %dma_wait3A = arith.constant 0 : i32
        %dma_wait3A_70 = tpu.memref_slice %arg9[%scan3A_54, %dma_wait3A] : memref<79x128xi32, #tpu.memory_space<vmem>> -> memref<1x128xi32, #tpu.memory_space<vmem>>
        %dma_wait3A_71 = tpu.memref_squeeze %dma_wait3A_70 : memref<1x128xi32, #tpu.memory_space<vmem>> -> memref<128xi32, #tpu.memory_space<vmem>>
        %dma_wait3A_72 = arith.constant 0 : i32
        %dma_wait3A_73 = arith.constant 0 : i32
        %dma_wait3A_74 = tpu.memref_slice %arg11[%dma_wait3A_72, %dma_wait3A_73] : memref<10008x128xf32, #tpu.memory_space<vmem_shared>> -> memref<10008x128xf32, #tpu.memory_space<vmem_shared>>
        tpu.wait_indirect_dma semaphore(%run_scoped3A : memref<!tpu.dma_semaphore, #tpu.memory_space<semaphore_mem>>) src(%arg10 : memref<128x128xf32, #tpu.memory_space<vmem>>) dst(%dma_wait3A_74 : memref<10008x128xf32, #tpu.memory_space<vmem_shared>>)
        tpu.yield
      }) : () -> ()
    }
    %scan3A_26 = arith.constant 79 : i32
    %barrier3A_27 = arith.constant 0 : index
    tpu.barrier barrier_id(%barrier3A_27)
    %eq3A_28 = arith.constant 0 : i32
    %eq3A_29 = arith.cmpi eq, %arg0, %eq3A_28 : i32
    %convert_element_type3A_30 = arith.extui %eq3A_29 : i1 to i32
    %cond3A_31 = arith.constant 0 : i32
    %cond3A_32 = arith.cmpi ne, %convert_element_type3A_30, %cond3A_31 : i32
    scf.if %cond3A_32 {
      %mul3A = arith.constant 624 : i32
      %mul3A_54 = arith.muli %arg1, %mul3A : i32
      %mul3A_55 = arith.constant 624 : i32
      %mul3A_56 = arith.muli %arg1, %mul3A_55 : i32
      "tpu.region"() ({
        %run_scoped3A = tpu.sem_alloc : memref<!tpu.dma_semaphore, #tpu.memory_space<semaphore_mem>>
        %dma_start3A = arith.constant 0 : i32
        %dma_start3A_57 = tpu.memref_slice %arg6[%mul3A_56, %dma_start3A] : memref<10000x128xf32, #tpu.memory_space<hbm>> -> memref<624x128xf32, #tpu.memory_space<hbm>>
        %dma_start3A_58 = arith.constant 0 : i32
        %dma_start3A_59 = tpu.memref_slice %arg11[%mul3A_54, %dma_start3A_58] : memref<10008x128xf32, #tpu.memory_space<vmem_shared>> -> memref<624x128xf32, #tpu.memory_space<vmem_shared>>
        tpu.enqueue_dma source(%dma_start3A_59 : memref<624x128xf32, #tpu.memory_space<vmem_shared>>) target(%dma_start3A_57 : memref<624x128xf32, #tpu.memory_space<hbm>>) target_semaphore(%run_scoped3A : memref<!tpu.dma_semaphore, #tpu.memory_space<semaphore_mem>>)
        %dma_wait3A = arith.constant 0 : i32
        %dma_wait3A_60 = tpu.memref_slice %arg6[%mul3A_56, %dma_wait3A] : memref<10000x128xf32, #tpu.memory_space<hbm>> -> memref<624x128xf32, #tpu.memory_space<hbm>>
        %dma_wait3A_61 = arith.constant 0 : i32
        %dma_wait3A_62 = tpu.memref_slice %arg11[%mul3A_54, %dma_wait3A_61] : memref<10008x128xf32, #tpu.memory_space<vmem_shared>> -> memref<624x128xf32, #tpu.memory_space<vmem_shared>>
        tpu.wait_dma2 semaphore(%run_scoped3A : memref<!tpu.dma_semaphore, #tpu.memory_space<semaphore_mem>>) src(%dma_wait3A_62 : memref<624x128xf32, #tpu.memory_space<vmem_shared>>) dst(%dma_wait3A_60 : memref<624x128xf32, #tpu.memory_space<hbm>>)
        tpu.yield
      }) : () -> ()
    } else {
    }
    %eq3A_33 = arith.constant 1 : i32
    %eq3A_34 = arith.cmpi eq, %arg0, %eq3A_33 : i32
    %convert_element_type3A_35 = arith.extui %eq3A_34 : i1 to i32
    %cond3A_36 = arith.constant 0 : i32
    %cond3A_37 = arith.cmpi ne, %convert_element_type3A_35, %cond3A_36 : i32
    scf.if %cond3A_37 {
      %mul3A = arith.constant 624 : i32
      %mul3A_54 = arith.muli %arg1, %mul3A : i32
      %mul3A_55 = arith.constant 624 : i32
      %mul3A_56 = arith.muli %arg1, %mul3A_55 : i32
      "tpu.region"() ({
        %run_scoped3A = tpu.sem_alloc : memref<!tpu.dma_semaphore, #tpu.memory_space<semaphore_mem>>
        %dma_start3A = arith.constant 0 : i32
        %dma_start3A_57 = tpu.memref_slice %arg7[%mul3A_56, %dma_start3A] : memref<10000x128xf32, #tpu.memory_space<hbm>> -> memref<624x128xf32, #tpu.memory_space<hbm>>
        %dma_start3A_58 = arith.constant 0 : i32
        %dma_start3A_59 = tpu.memref_slice %arg11[%mul3A_54, %dma_start3A_58] : memref<10008x128xf32, #tpu.memory_space<vmem_shared>> -> memref<624x128xf32, #tpu.memory_space<vmem_shared>>
        tpu.enqueue_dma source(%dma_start3A_59 : memref<624x128xf32, #tpu.memory_space<vmem_shared>>) target(%dma_start3A_57 : memref<624x128xf32, #tpu.memory_space<hbm>>) target_semaphore(%run_scoped3A : memref<!tpu.dma_semaphore, #tpu.memory_space<semaphore_mem>>)
        %dma_wait3A = arith.constant 0 : i32
        %dma_wait3A_60 = tpu.memref_slice %arg7[%mul3A_56, %dma_wait3A] : memref<10000x128xf32, #tpu.memory_space<hbm>> -> memref<624x128xf32, #tpu.memory_space<hbm>>
        %dma_wait3A_61 = arith.constant 0 : i32
        %dma_wait3A_62 = tpu.memref_slice %arg11[%mul3A_54, %dma_wait3A_61] : memref<10008x128xf32, #tpu.memory_space<vmem_shared>> -> memref<624x128xf32, #tpu.memory_space<vmem_shared>>
        tpu.wait_dma2 semaphore(%run_scoped3A : memref<!tpu.dma_semaphore, #tpu.memory_space<semaphore_mem>>) src(%dma_wait3A_62 : memref<624x128xf32, #tpu.memory_space<vmem_shared>>) dst(%dma_wait3A_60 : memref<624x128xf32, #tpu.memory_space<hbm>>)
        tpu.yield
      }) : () -> ()
    } else {
    }
    %eq3A_38 = arith.constant 0 : i32
    %eq3A_39 = arith.cmpi eq, %arg0, %eq3A_38 : i32
    %eq3A_40 = arith.constant 0 : i32
    %eq3A_41 = arith.cmpi eq, %arg1, %eq3A_40 : i32
    %and3A_42 = arith.andi %eq3A_39, %eq3A_41 : i1
    %convert_element_type3A_43 = arith.extui %and3A_42 : i1 to i32
    %cond3A_44 = arith.constant 0 : i32
    %cond3A_45 = arith.cmpi ne, %convert_element_type3A_43, %cond3A_44 : i32
    scf.if %cond3A_45 {
      "tpu.region"() ({
        %run_scoped3A = tpu.sem_alloc : memref<!tpu.dma_semaphore, #tpu.memory_space<semaphore_mem>>
        %dma_start3A = arith.constant 9984 : i32
        %dma_start3A_54 = arith.constant 0 : i32
        %dma_start3A_55 = tpu.memref_slice %arg6[%dma_start3A, %dma_start3A_54] : memref<10000x128xf32, #tpu.memory_space<hbm>> -> memref<16x128xf32, #tpu.memory_space<hbm>>
        %dma_start3A_56 = arith.constant 9984 : i32
        %dma_start3A_57 = arith.constant 0 : i32
        %dma_start3A_58 = tpu.memref_slice %arg11[%dma_start3A_56, %dma_start3A_57] : memref<10008x128xf32, #tpu.memory_space<vmem_shared>> -> memref<16x128xf32, #tpu.memory_space<vmem_shared>>
        tpu.enqueue_dma source(%dma_start3A_58 : memref<16x128xf32, #tpu.memory_space<vmem_shared>>) target(%dma_start3A_55 : memref<16x128xf32, #tpu.memory_space<hbm>>) target_semaphore(%run_scoped3A : memref<!tpu.dma_semaphore, #tpu.memory_space<semaphore_mem>>)
        %dma_wait3A = arith.constant 9984 : i32
        %dma_wait3A_59 = arith.constant 0 : i32
        %dma_wait3A_60 = tpu.memref_slice %arg6[%dma_wait3A, %dma_wait3A_59] : memref<10000x128xf32, #tpu.memory_space<hbm>> -> memref<16x128xf32, #tpu.memory_space<hbm>>
        %dma_wait3A_61 = arith.constant 9984 : i32
        %dma_wait3A_62 = arith.constant 0 : i32
        %dma_wait3A_63 = tpu.memref_slice %arg11[%dma_wait3A_61, %dma_wait3A_62] : memref<10008x128xf32, #tpu.memory_space<vmem_shared>> -> memref<16x128xf32, #tpu.memory_space<vmem_shared>>
        tpu.wait_dma2 semaphore(%run_scoped3A : memref<!tpu.dma_semaphore, #tpu.memory_space<semaphore_mem>>) src(%dma_wait3A_63 : memref<16x128xf32, #tpu.memory_space<vmem_shared>>) dst(%dma_wait3A_60 : memref<16x128xf32, #tpu.memory_space<hbm>>)
        tpu.yield
      }) : () -> ()
    } else {
    }
    %eq3A_46 = arith.constant 1 : i32
    %eq3A_47 = arith.cmpi eq, %arg0, %eq3A_46 : i32
    %eq3A_48 = arith.constant 0 : i32
    %eq3A_49 = arith.cmpi eq, %arg1, %eq3A_48 : i32
    %and3A_50 = arith.andi %eq3A_47, %eq3A_49 : i1
    %convert_element_type3A_51 = arith.extui %and3A_50 : i1 to i32
    %cond3A_52 = arith.constant 0 : i32
    %cond3A_53 = arith.cmpi ne, %convert_element_type3A_51, %cond3A_52 : i32
    scf.if %cond3A_53 {
      "tpu.region"() ({
        %run_scoped3A = tpu.sem_alloc : memref<!tpu.dma_semaphore, #tpu.memory_space<semaphore_mem>>
        %dma_start3A = arith.constant 9984 : i32
        %dma_start3A_54 = arith.constant 0 : i32
        %dma_start3A_55 = tpu.memref_slice %arg7[%dma_start3A, %dma_start3A_54] : memref<10000x128xf32, #tpu.memory_space<hbm>> -> memref<16x128xf32, #tpu.memory_space<hbm>>
        %dma_start3A_56 = arith.constant 9984 : i32
        %dma_start3A_57 = arith.constant 0 : i32
        %dma_start3A_58 = tpu.memref_slice %arg11[%dma_start3A_56, %dma_start3A_57] : memref<10008x128xf32, #tpu.memory_space<vmem_shared>> -> memref<16x128xf32, #tpu.memory_space<vmem_shared>>
        tpu.enqueue_dma source(%dma_start3A_58 : memref<16x128xf32, #tpu.memory_space<vmem_shared>>) target(%dma_start3A_55 : memref<16x128xf32, #tpu.memory_space<hbm>>) target_semaphore(%run_scoped3A : memref<!tpu.dma_semaphore, #tpu.memory_space<semaphore_mem>>)
        %dma_wait3A = arith.constant 9984 : i32
        %dma_wait3A_59 = arith.constant 0 : i32
        %dma_wait3A_60 = tpu.memref_slice %arg7[%dma_wait3A, %dma_wait3A_59] : memref<10000x128xf32, #tpu.memory_space<hbm>> -> memref<16x128xf32, #tpu.memory_space<hbm>>
        %dma_wait3A_61 = arith.constant 9984 : i32
        %dma_wait3A_62 = arith.constant 0 : i32
        %dma_wait3A_63 = tpu.memref_slice %arg11[%dma_wait3A_61, %dma_wait3A_62] : memref<10008x128xf32, #tpu.memory_space<vmem_shared>> -> memref<16x128xf32, #tpu.memory_space<vmem_shared>>
        tpu.wait_dma2 semaphore(%run_scoped3A : memref<!tpu.dma_semaphore, #tpu.memory_space<semaphore_mem>>) src(%dma_wait3A_63 : memref<16x128xf32, #tpu.memory_space<vmem_shared>>) dst(%dma_wait3A_60 : memref<16x128xf32, #tpu.memory_space<hbm>>)
        tpu.yield
      }) : () -> ()
    } else {
    }
    return
  }
}

#map = affine_map<(d0, d1) -> (0, 0)>
#map1 = affine_map<(d0, d1) -> (0, 0, 0)>
module attributes {stable_mosaic.version = 14 : i64} {
  func.func @_agg_body(%arg0: i32, %arg1: i32, %arg2: memref<10000x128xf32, #tpu.memory_space<hbm>>, %arg3: memref<10000x128xf32, #tpu.memory_space<hbm>>, %arg4: memref<16x79x128xi32, #tpu.memory_space<hbm>>, %arg5: memref<16x79x128xi32, #tpu.memory_space<hbm>>, %arg6: memref<10000x128xf32, #tpu.memory_space<hbm>>, %arg7: memref<10000x128xf32, #tpu.memory_space<hbm>>, %arg8: memref<79x128xi32, #tpu.memory_space<vmem>>, %arg9: memref<79x128xi32, #tpu.memory_space<vmem>>, %arg10: memref<128x128xf32, #tpu.memory_space<vmem>>, %arg11: memref<10008x128xf32, #tpu.memory_space<vmem_shared>>, %arg12: memref<!tpu.dma_semaphore, #tpu.memory_space<semaphore_mem>>) attributes {dimension_semantics = [#tpu.dimension_semantics<core_parallel>, #tpu.dimension_semantics<subcore_parallel>], iteration_bounds = array<i64: 2, 16>, scalar_prefetch = 0 : i64, scratch_operands = 5 : i64, tpu.core_type = #tpu.core_type<sc_vector_subcore>, window_params = [{transform_indices = #map}, {transform_indices = #map}, {transform_indices = #map1}, {transform_indices = #map1}, {transform_indices = #map}, {transform_indices = #map}]} {
    "tpu.region"() ({
      %run_scoped3A = tpu.sem_alloc : memref<!tpu.dma_semaphore, #tpu.memory_space<semaphore_mem>>
      %dma_start3A = arith.constant 0 : i32
      %dma_start3A_54 = arith.constant 0 : i32
      %dma_start3A_55 = tpu.memref_slice %arg4[%arg1, %dma_start3A, %dma_start3A_54] : memref<16x79x128xi32, #tpu.memory_space<hbm>> -> memref<1x79x128xi32, #tpu.memory_space<hbm>>
      %dma_start3A_56 = tpu.memref_squeeze %dma_start3A_55 : memref<1x79x128xi32, #tpu.memory_space<hbm>> -> memref<79x128xi32, #tpu.memory_space<hbm>>
      %dma_start3A_57 = arith.constant 0 : i32
      %dma_start3A_58 = arith.constant 0 : i32
      %dma_start3A_59 = tpu.memref_slice %arg4[%arg1, %dma_start3A_57, %dma_start3A_58] : memref<16x79x128xi32, #tpu.memory_space<hbm>> -> memref<1x79x128xi32, #tpu.memory_space<hbm>>
      %dma_start3A_60 = tpu.memref_squeeze %dma_start3A_59 : memref<1x79x128xi32, #tpu.memory_space<hbm>> -> memref<79x128xi32, #tpu.memory_space<hbm>>
      tpu.enqueue_dma source(%dma_start3A_60 : memref<79x128xi32, #tpu.memory_space<hbm>>) target(%arg8 : memref<79x128xi32, #tpu.memory_space<vmem>>) target_semaphore(%run_scoped3A : memref<!tpu.dma_semaphore, #tpu.memory_space<semaphore_mem>>)
      %dma_wait3A = arith.constant 0 : i32
      %dma_wait3A_61 = arith.constant 0 : i32
      %dma_wait3A_62 = tpu.memref_slice %arg4[%arg1, %dma_wait3A, %dma_wait3A_61] : memref<16x79x128xi32, #tpu.memory_space<hbm>> -> memref<1x79x128xi32, #tpu.memory_space<hbm>>
      %dma_wait3A_63 = tpu.memref_squeeze %dma_wait3A_62 : memref<1x79x128xi32, #tpu.memory_space<hbm>> -> memref<79x128xi32, #tpu.memory_space<hbm>>
      %dma_wait3A_64 = arith.constant 0 : i32
      %dma_wait3A_65 = arith.constant 0 : i32
      %dma_wait3A_66 = tpu.memref_slice %arg4[%arg1, %dma_wait3A_64, %dma_wait3A_65] : memref<16x79x128xi32, #tpu.memory_space<hbm>> -> memref<1x79x128xi32, #tpu.memory_space<hbm>>
      %dma_wait3A_67 = tpu.memref_squeeze %dma_wait3A_66 : memref<1x79x128xi32, #tpu.memory_space<hbm>> -> memref<79x128xi32, #tpu.memory_space<hbm>>
      tpu.wait_dma2 semaphore(%run_scoped3A : memref<!tpu.dma_semaphore, #tpu.memory_space<semaphore_mem>>) src(%dma_wait3A_67 : memref<79x128xi32, #tpu.memory_space<hbm>>) dst(%arg8 : memref<79x128xi32, #tpu.memory_space<vmem>>)
      tpu.yield
    }) : () -> ()
    "tpu.region"() ({
      %run_scoped3A = tpu.sem_alloc : memref<!tpu.dma_semaphore, #tpu.memory_space<semaphore_mem>>
      %dma_start3A = arith.constant 0 : i32
      %dma_start3A_54 = arith.constant 0 : i32
      %dma_start3A_55 = tpu.memref_slice %arg5[%arg1, %dma_start3A, %dma_start3A_54] : memref<16x79x128xi32, #tpu.memory_space<hbm>> -> memref<1x79x128xi32, #tpu.memory_space<hbm>>
      %dma_start3A_56 = tpu.memref_squeeze %dma_start3A_55 : memref<1x79x128xi32, #tpu.memory_space<hbm>> -> memref<79x128xi32, #tpu.memory_space<hbm>>
      %dma_start3A_57 = arith.constant 0 : i32
      %dma_start3A_58 = arith.constant 0 : i32
      %dma_start3A_59 = tpu.memref_slice %arg5[%arg1, %dma_start3A_57, %dma_start3A_58] : memref<16x79x128xi32, #tpu.memory_space<hbm>> -> memref<1x79x128xi32, #tpu.memory_space<hbm>>
      %dma_start3A_60 = tpu.memref_squeeze %dma_start3A_59 : memref<1x79x128xi32, #tpu.memory_space<hbm>> -> memref<79x128xi32, #tpu.memory_space<hbm>>
      tpu.enqueue_dma source(%dma_start3A_60 : memref<79x128xi32, #tpu.memory_space<hbm>>) target(%arg9 : memref<79x128xi32, #tpu.memory_space<vmem>>) target_semaphore(%run_scoped3A : memref<!tpu.dma_semaphore, #tpu.memory_space<semaphore_mem>>)
      %dma_wait3A = arith.constant 0 : i32
      %dma_wait3A_61 = arith.constant 0 : i32
      %dma_wait3A_62 = tpu.memref_slice %arg5[%arg1, %dma_wait3A, %dma_wait3A_61] : memref<16x79x128xi32, #tpu.memory_space<hbm>> -> memref<1x79x128xi32, #tpu.memory_space<hbm>>
      %dma_wait3A_63 = tpu.memref_squeeze %dma_wait3A_62 : memref<1x79x128xi32, #tpu.memory_space<hbm>> -> memref<79x128xi32, #tpu.memory_space<hbm>>
      %dma_wait3A_64 = arith.constant 0 : i32
      %dma_wait3A_65 = arith.constant 0 : i32
      %dma_wait3A_66 = tpu.memref_slice %arg5[%arg1, %dma_wait3A_64, %dma_wait3A_65] : memref<16x79x128xi32, #tpu.memory_space<hbm>> -> memref<1x79x128xi32, #tpu.memory_space<hbm>>
      %dma_wait3A_67 = tpu.memref_squeeze %dma_wait3A_66 : memref<1x79x128xi32, #tpu.memory_space<hbm>> -> memref<79x128xi32, #tpu.memory_space<hbm>>
      tpu.wait_dma2 semaphore(%run_scoped3A : memref<!tpu.dma_semaphore, #tpu.memory_space<semaphore_mem>>) src(%dma_wait3A_67 : memref<79x128xi32, #tpu.memory_space<hbm>>) dst(%arg9 : memref<79x128xi32, #tpu.memory_space<vmem>>)
      tpu.yield
    }) : () -> ()
    %eq3A = arith.constant 0 : i32
    %eq3A_0 = arith.cmpi eq, %arg0, %eq3A : i32
    %convert_element_type3A = arith.extui %eq3A_0 : i1 to i32
    %cond3A = arith.constant 0 : i32
    %cond3A_1 = arith.cmpi ne, %convert_element_type3A, %cond3A : i32
    scf.if %cond3A_1 {
      %mul3A = arith.constant 624 : i32
      %mul3A_54 = arith.muli %arg1, %mul3A : i32
      %mul3A_55 = arith.constant 624 : i32
      %mul3A_56 = arith.muli %arg1, %mul3A_55 : i32
      "tpu.region"() ({
        %run_scoped3A = tpu.sem_alloc : memref<!tpu.dma_semaphore, #tpu.memory_space<semaphore_mem>>
        %dma_start3A = arith.constant 0 : i32
        %dma_start3A_57 = tpu.memref_slice %arg11[%mul3A_56, %dma_start3A] : memref<10008x128xf32, #tpu.memory_space<vmem_shared>> -> memref<624x128xf32, #tpu.memory_space<vmem_shared>>
        %dma_start3A_58 = arith.constant 0 : i32
        %dma_start3A_59 = tpu.memref_slice %arg2[%mul3A_54, %dma_start3A_58] : memref<10000x128xf32, #tpu.memory_space<hbm>> -> memref<624x128xf32, #tpu.memory_space<hbm>>
        tpu.enqueue_dma source(%dma_start3A_59 : memref<624x128xf32, #tpu.memory_space<hbm>>) target(%dma_start3A_57 : memref<624x128xf32, #tpu.memory_space<vmem_shared>>) target_semaphore(%run_scoped3A : memref<!tpu.dma_semaphore, #tpu.memory_space<semaphore_mem>>)
        %dma_wait3A = arith.constant 0 : i32
        %dma_wait3A_60 = tpu.memref_slice %arg11[%mul3A_56, %dma_wait3A] : memref<10008x128xf32, #tpu.memory_space<vmem_shared>> -> memref<624x128xf32, #tpu.memory_space<vmem_shared>>
        %dma_wait3A_61 = arith.constant 0 : i32
        %dma_wait3A_62 = tpu.memref_slice %arg2[%mul3A_54, %dma_wait3A_61] : memref<10000x128xf32, #tpu.memory_space<hbm>> -> memref<624x128xf32, #tpu.memory_space<hbm>>
        tpu.wait_dma2 semaphore(%run_scoped3A : memref<!tpu.dma_semaphore, #tpu.memory_space<semaphore_mem>>) src(%dma_wait3A_62 : memref<624x128xf32, #tpu.memory_space<hbm>>) dst(%dma_wait3A_60 : memref<624x128xf32, #tpu.memory_space<vmem_shared>>)
        tpu.yield
      }) : () -> ()
    } else {
    }
    %eq3A_2 = arith.constant 1 : i32
    %eq3A_3 = arith.cmpi eq, %arg0, %eq3A_2 : i32
    %convert_element_type3A_4 = arith.extui %eq3A_3 : i1 to i32
    %cond3A_5 = arith.constant 0 : i32
    %cond3A_6 = arith.cmpi ne, %convert_element_type3A_4, %cond3A_5 : i32
    scf.if %cond3A_6 {
      %mul3A = arith.constant 624 : i32
      %mul3A_54 = arith.muli %arg1, %mul3A : i32
      %mul3A_55 = arith.constant 624 : i32
      %mul3A_56 = arith.muli %arg1, %mul3A_55 : i32
      "tpu.region"() ({
        %run_scoped3A = tpu.sem_alloc : memref<!tpu.dma_semaphore, #tpu.memory_space<semaphore_mem>>
        %dma_start3A = arith.constant 0 : i32
        %dma_start3A_57 = tpu.memref_slice %arg11[%mul3A_56, %dma_start3A] : memref<10008x128xf32, #tpu.memory_space<vmem_shared>> -> memref<624x128xf32, #tpu.memory_space<vmem_shared>>
        %dma_start3A_58 = arith.constant 0 : i32
        %dma_start3A_59 = tpu.memref_slice %arg3[%mul3A_54, %dma_start3A_58] : memref<10000x128xf32, #tpu.memory_space<hbm>> -> memref<624x128xf32, #tpu.memory_space<hbm>>
        tpu.enqueue_dma source(%dma_start3A_59 : memref<624x128xf32, #tpu.memory_space<hbm>>) target(%dma_start3A_57 : memref<624x128xf32, #tpu.memory_space<vmem_shared>>) target_semaphore(%run_scoped3A : memref<!tpu.dma_semaphore, #tpu.memory_space<semaphore_mem>>)
        %dma_wait3A = arith.constant 0 : i32
        %dma_wait3A_60 = tpu.memref_slice %arg11[%mul3A_56, %dma_wait3A] : memref<10008x128xf32, #tpu.memory_space<vmem_shared>> -> memref<624x128xf32, #tpu.memory_space<vmem_shared>>
        %dma_wait3A_61 = arith.constant 0 : i32
        %dma_wait3A_62 = tpu.memref_slice %arg3[%mul3A_54, %dma_wait3A_61] : memref<10000x128xf32, #tpu.memory_space<hbm>> -> memref<624x128xf32, #tpu.memory_space<hbm>>
        tpu.wait_dma2 semaphore(%run_scoped3A : memref<!tpu.dma_semaphore, #tpu.memory_space<semaphore_mem>>) src(%dma_wait3A_62 : memref<624x128xf32, #tpu.memory_space<hbm>>) dst(%dma_wait3A_60 : memref<624x128xf32, #tpu.memory_space<vmem_shared>>)
        tpu.yield
      }) : () -> ()
    } else {
    }
    %eq3A_7 = arith.constant 0 : i32
    %eq3A_8 = arith.cmpi eq, %arg0, %eq3A_7 : i32
    %eq3A_9 = arith.constant 0 : i32
    %eq3A_10 = arith.cmpi eq, %arg1, %eq3A_9 : i32
    %and3A = arith.andi %eq3A_8, %eq3A_10 : i1
    %convert_element_type3A_11 = arith.extui %and3A : i1 to i32
    %cond3A_12 = arith.constant 0 : i32
    %cond3A_13 = arith.cmpi ne, %convert_element_type3A_11, %cond3A_12 : i32
    scf.if %cond3A_13 {
      "tpu.region"() ({
        %run_scoped3A = tpu.sem_alloc : memref<!tpu.dma_semaphore, #tpu.memory_space<semaphore_mem>>
        %dma_start3A = arith.constant 9984 : i32
        %dma_start3A_54 = arith.constant 0 : i32
        %dma_start3A_55 = tpu.memref_slice %arg11[%dma_start3A, %dma_start3A_54] : memref<10008x128xf32, #tpu.memory_space<vmem_shared>> -> memref<16x128xf32, #tpu.memory_space<vmem_shared>>
        %dma_start3A_56 = arith.constant 9984 : i32
        %dma_start3A_57 = arith.constant 0 : i32
        %dma_start3A_58 = tpu.memref_slice %arg2[%dma_start3A_56, %dma_start3A_57] : memref<10000x128xf32, #tpu.memory_space<hbm>> -> memref<16x128xf32, #tpu.memory_space<hbm>>
        tpu.enqueue_dma source(%dma_start3A_58 : memref<16x128xf32, #tpu.memory_space<hbm>>) target(%dma_start3A_55 : memref<16x128xf32, #tpu.memory_space<vmem_shared>>) target_semaphore(%run_scoped3A : memref<!tpu.dma_semaphore, #tpu.memory_space<semaphore_mem>>)
        %dma_wait3A = arith.constant 9984 : i32
        %dma_wait3A_59 = arith.constant 0 : i32
        %dma_wait3A_60 = tpu.memref_slice %arg11[%dma_wait3A, %dma_wait3A_59] : memref<10008x128xf32, #tpu.memory_space<vmem_shared>> -> memref<16x128xf32, #tpu.memory_space<vmem_shared>>
        %dma_wait3A_61 = arith.constant 9984 : i32
        %dma_wait3A_62 = arith.constant 0 : i32
        %dma_wait3A_63 = tpu.memref_slice %arg2[%dma_wait3A_61, %dma_wait3A_62] : memref<10000x128xf32, #tpu.memory_space<hbm>> -> memref<16x128xf32, #tpu.memory_space<hbm>>
        tpu.wait_dma2 semaphore(%run_scoped3A : memref<!tpu.dma_semaphore, #tpu.memory_space<semaphore_mem>>) src(%dma_wait3A_63 : memref<16x128xf32, #tpu.memory_space<hbm>>) dst(%dma_wait3A_60 : memref<16x128xf32, #tpu.memory_space<vmem_shared>>)
        tpu.yield
      }) : () -> ()
    } else {
    }
    %eq3A_14 = arith.constant 1 : i32
    %eq3A_15 = arith.cmpi eq, %arg0, %eq3A_14 : i32
    %eq3A_16 = arith.constant 0 : i32
    %eq3A_17 = arith.cmpi eq, %arg1, %eq3A_16 : i32
    %and3A_18 = arith.andi %eq3A_15, %eq3A_17 : i1
    %convert_element_type3A_19 = arith.extui %and3A_18 : i1 to i32
    %cond3A_20 = arith.constant 0 : i32
    %cond3A_21 = arith.cmpi ne, %convert_element_type3A_19, %cond3A_20 : i32
    scf.if %cond3A_21 {
      "tpu.region"() ({
        %run_scoped3A = tpu.sem_alloc : memref<!tpu.dma_semaphore, #tpu.memory_space<semaphore_mem>>
        %dma_start3A = arith.constant 9984 : i32
        %dma_start3A_54 = arith.constant 0 : i32
        %dma_start3A_55 = tpu.memref_slice %arg11[%dma_start3A, %dma_start3A_54] : memref<10008x128xf32, #tpu.memory_space<vmem_shared>> -> memref<16x128xf32, #tpu.memory_space<vmem_shared>>
        %dma_start3A_56 = arith.constant 9984 : i32
        %dma_start3A_57 = arith.constant 0 : i32
        %dma_start3A_58 = tpu.memref_slice %arg3[%dma_start3A_56, %dma_start3A_57] : memref<10000x128xf32, #tpu.memory_space<hbm>> -> memref<16x128xf32, #tpu.memory_space<hbm>>
        tpu.enqueue_dma source(%dma_start3A_58 : memref<16x128xf32, #tpu.memory_space<hbm>>) target(%dma_start3A_55 : memref<16x128xf32, #tpu.memory_space<vmem_shared>>) target_semaphore(%run_scoped3A : memref<!tpu.dma_semaphore, #tpu.memory_space<semaphore_mem>>)
        %dma_wait3A = arith.constant 9984 : i32
        %dma_wait3A_59 = arith.constant 0 : i32
        %dma_wait3A_60 = tpu.memref_slice %arg11[%dma_wait3A, %dma_wait3A_59] : memref<10008x128xf32, #tpu.memory_space<vmem_shared>> -> memref<16x128xf32, #tpu.memory_space<vmem_shared>>
        %dma_wait3A_61 = arith.constant 9984 : i32
        %dma_wait3A_62 = arith.constant 0 : i32
        %dma_wait3A_63 = tpu.memref_slice %arg3[%dma_wait3A_61, %dma_wait3A_62] : memref<10000x128xf32, #tpu.memory_space<hbm>> -> memref<16x128xf32, #tpu.memory_space<hbm>>
        tpu.wait_dma2 semaphore(%run_scoped3A : memref<!tpu.dma_semaphore, #tpu.memory_space<semaphore_mem>>) src(%dma_wait3A_63 : memref<16x128xf32, #tpu.memory_space<hbm>>) dst(%dma_wait3A_60 : memref<16x128xf32, #tpu.memory_space<vmem_shared>>)
        tpu.yield
      }) : () -> ()
    } else {
    }
    %barrier3A = arith.constant 0 : index
    tpu.barrier barrier_id(%barrier3A)
    %scan3A = arith.constant 0 : i32
    %scan3A_22 = arith.constant 0 : i32
    %scan3A_23 = arith.constant 79 : i32
    %scan3A_24 = arith.addi %scan3A_22, %scan3A_23 : i32
    %scan3A_25 = arith.constant 1 : i32
    scf.for %scan3A_54 = %scan3A_22 to %scan3A_24 step %scan3A_25  : i32 {
      %eq3A_55 = arith.constant 0 : i32
      %eq3A_56 = arith.cmpi eq, %arg0, %eq3A_55 : i32
      %convert_element_type3A_57 = arith.extui %eq3A_56 : i1 to i32
      %cond3A_58 = arith.constant 0 : i32
      %cond3A_59 = arith.cmpi ne, %convert_element_type3A_57, %cond3A_58 : i32
      scf.if %cond3A_59 {
        %dma_start3A = arith.constant 0 : i32
        %dma_start3A_65 = tpu.memref_slice %arg8[%scan3A_54, %dma_start3A] : memref<79x128xi32, #tpu.memory_space<vmem>> -> memref<1x128xi32, #tpu.memory_space<vmem>>
        %dma_start3A_66 = tpu.memref_squeeze %dma_start3A_65 : memref<1x128xi32, #tpu.memory_space<vmem>> -> memref<128xi32, #tpu.memory_space<vmem>>
        %dma_start3A_67 = arith.constant 0 : i32
        %dma_start3A_68 = arith.constant 0 : i32
        %dma_start3A_69 = tpu.memref_slice %arg2[%dma_start3A_67, %dma_start3A_68] : memref<10000x128xf32, #tpu.memory_space<hbm>> -> memref<10000x128xf32, #tpu.memory_space<hbm>>
        tpu.enqueue_indirect_dma source(%dma_start3A_69 : memref<10000x128xf32, #tpu.memory_space<hbm>>) target(%arg10 : memref<128x128xf32, #tpu.memory_space<vmem>>) offsets(%dma_start3A_66 : memref<128xi32, #tpu.memory_space<vmem>>) semaphore(%arg12 : memref<!tpu.dma_semaphore, #tpu.memory_space<semaphore_mem>>)
        %dma_wait3A = arith.constant 0 : i32
        %dma_wait3A_70 = tpu.memref_slice %arg8[%scan3A_54, %dma_wait3A] : memref<79x128xi32, #tpu.memory_space<vmem>> -> memref<1x128xi32, #tpu.memory_space<vmem>>
        %dma_wait3A_71 = tpu.memref_squeeze %dma_wait3A_70 : memref<1x128xi32, #tpu.memory_space<vmem>> -> memref<128xi32, #tpu.memory_space<vmem>>
        %dma_wait3A_72 = arith.constant 0 : i32
        %dma_wait3A_73 = arith.constant 0 : i32
        %dma_wait3A_74 = tpu.memref_slice %arg2[%dma_wait3A_72, %dma_wait3A_73] : memref<10000x128xf32, #tpu.memory_space<hbm>> -> memref<10000x128xf32, #tpu.memory_space<hbm>>
        tpu.wait_indirect_dma semaphore(%arg12 : memref<!tpu.dma_semaphore, #tpu.memory_space<semaphore_mem>>) src(%dma_wait3A_74 : memref<10000x128xf32, #tpu.memory_space<hbm>>) dst(%arg10 : memref<128x128xf32, #tpu.memory_space<vmem>>)
      } else {
      }
      %eq3A_60 = arith.constant 1 : i32
      %eq3A_61 = arith.cmpi eq, %arg0, %eq3A_60 : i32
      %convert_element_type3A_62 = arith.extui %eq3A_61 : i1 to i32
      %cond3A_63 = arith.constant 0 : i32
      %cond3A_64 = arith.cmpi ne, %convert_element_type3A_62, %cond3A_63 : i32
      scf.if %cond3A_64 {
        %dma_start3A = arith.constant 0 : i32
        %dma_start3A_65 = tpu.memref_slice %arg8[%scan3A_54, %dma_start3A] : memref<79x128xi32, #tpu.memory_space<vmem>> -> memref<1x128xi32, #tpu.memory_space<vmem>>
        %dma_start3A_66 = tpu.memref_squeeze %dma_start3A_65 : memref<1x128xi32, #tpu.memory_space<vmem>> -> memref<128xi32, #tpu.memory_space<vmem>>
        %dma_start3A_67 = arith.constant 0 : i32
        %dma_start3A_68 = arith.constant 0 : i32
        %dma_start3A_69 = tpu.memref_slice %arg3[%dma_start3A_67, %dma_start3A_68] : memref<10000x128xf32, #tpu.memory_space<hbm>> -> memref<10000x128xf32, #tpu.memory_space<hbm>>
        tpu.enqueue_indirect_dma source(%dma_start3A_69 : memref<10000x128xf32, #tpu.memory_space<hbm>>) target(%arg10 : memref<128x128xf32, #tpu.memory_space<vmem>>) offsets(%dma_start3A_66 : memref<128xi32, #tpu.memory_space<vmem>>) semaphore(%arg12 : memref<!tpu.dma_semaphore, #tpu.memory_space<semaphore_mem>>)
        %dma_wait3A = arith.constant 0 : i32
        %dma_wait3A_70 = tpu.memref_slice %arg8[%scan3A_54, %dma_wait3A] : memref<79x128xi32, #tpu.memory_space<vmem>> -> memref<1x128xi32, #tpu.memory_space<vmem>>
        %dma_wait3A_71 = tpu.memref_squeeze %dma_wait3A_70 : memref<1x128xi32, #tpu.memory_space<vmem>> -> memref<128xi32, #tpu.memory_space<vmem>>
        %dma_wait3A_72 = arith.constant 0 : i32
        %dma_wait3A_73 = arith.constant 0 : i32
        %dma_wait3A_74 = tpu.memref_slice %arg3[%dma_wait3A_72, %dma_wait3A_73] : memref<10000x128xf32, #tpu.memory_space<hbm>> -> memref<10000x128xf32, #tpu.memory_space<hbm>>
        tpu.wait_indirect_dma semaphore(%arg12 : memref<!tpu.dma_semaphore, #tpu.memory_space<semaphore_mem>>) src(%dma_wait3A_74 : memref<10000x128xf32, #tpu.memory_space<hbm>>) dst(%arg10 : memref<128x128xf32, #tpu.memory_space<vmem>>)
      } else {
      }
      "tpu.region"() ({
        %run_scoped3A = tpu.sem_alloc : memref<!tpu.dma_semaphore, #tpu.memory_space<semaphore_mem>>
        %dma_start3A = arith.constant 0 : i32
        %dma_start3A_65 = tpu.memref_slice %arg9[%scan3A_54, %dma_start3A] : memref<79x128xi32, #tpu.memory_space<vmem>> -> memref<1x128xi32, #tpu.memory_space<vmem>>
        %dma_start3A_66 = tpu.memref_squeeze %dma_start3A_65 : memref<1x128xi32, #tpu.memory_space<vmem>> -> memref<128xi32, #tpu.memory_space<vmem>>
        %dma_start3A_67 = arith.constant 0 : i32
        %dma_start3A_68 = arith.constant 0 : i32
        %dma_start3A_69 = tpu.memref_slice %arg11[%dma_start3A_67, %dma_start3A_68] : memref<10008x128xf32, #tpu.memory_space<vmem_shared>> -> memref<10008x128xf32, #tpu.memory_space<vmem_shared>>
        tpu.enqueue_indirect_dma source(%arg10 : memref<128x128xf32, #tpu.memory_space<vmem>>) target(%dma_start3A_69 : memref<10008x128xf32, #tpu.memory_space<vmem_shared>>) offsets(%dma_start3A_66 : memref<128xi32, #tpu.memory_space<vmem>>) semaphore(%run_scoped3A : memref<!tpu.dma_semaphore, #tpu.memory_space<semaphore_mem>>) {add = true}
        %dma_wait3A = arith.constant 0 : i32
        %dma_wait3A_70 = tpu.memref_slice %arg9[%scan3A_54, %dma_wait3A] : memref<79x128xi32, #tpu.memory_space<vmem>> -> memref<1x128xi32, #tpu.memory_space<vmem>>
        %dma_wait3A_71 = tpu.memref_squeeze %dma_wait3A_70 : memref<1x128xi32, #tpu.memory_space<vmem>> -> memref<128xi32, #tpu.memory_space<vmem>>
        %dma_wait3A_72 = arith.constant 0 : i32
        %dma_wait3A_73 = arith.constant 0 : i32
        %dma_wait3A_74 = tpu.memref_slice %arg11[%dma_wait3A_72, %dma_wait3A_73] : memref<10008x128xf32, #tpu.memory_space<vmem_shared>> -> memref<10008x128xf32, #tpu.memory_space<vmem_shared>>
        tpu.wait_indirect_dma semaphore(%run_scoped3A : memref<!tpu.dma_semaphore, #tpu.memory_space<semaphore_mem>>) src(%arg10 : memref<128x128xf32, #tpu.memory_space<vmem>>) dst(%dma_wait3A_74 : memref<10008x128xf32, #tpu.memory_space<vmem_shared>>)
        tpu.yield
      }) : () -> ()
    }
    %scan3A_26 = arith.constant 79 : i32
    %barrier3A_27 = arith.constant 0 : index
    tpu.barrier barrier_id(%barrier3A_27)
    %eq3A_28 = arith.constant 0 : i32
    %eq3A_29 = arith.cmpi eq, %arg0, %eq3A_28 : i32
    %convert_element_type3A_30 = arith.extui %eq3A_29 : i1 to i32
    %cond3A_31 = arith.constant 0 : i32
    %cond3A_32 = arith.cmpi ne, %convert_element_type3A_30, %cond3A_31 : i32
    scf.if %cond3A_32 {
      %mul3A = arith.constant 624 : i32
      %mul3A_54 = arith.muli %arg1, %mul3A : i32
      %mul3A_55 = arith.constant 624 : i32
      %mul3A_56 = arith.muli %arg1, %mul3A_55 : i32
      "tpu.region"() ({
        %run_scoped3A = tpu.sem_alloc : memref<!tpu.dma_semaphore, #tpu.memory_space<semaphore_mem>>
        %dma_start3A = arith.constant 0 : i32
        %dma_start3A_57 = tpu.memref_slice %arg6[%mul3A_56, %dma_start3A] : memref<10000x128xf32, #tpu.memory_space<hbm>> -> memref<624x128xf32, #tpu.memory_space<hbm>>
        %dma_start3A_58 = arith.constant 0 : i32
        %dma_start3A_59 = tpu.memref_slice %arg11[%mul3A_54, %dma_start3A_58] : memref<10008x128xf32, #tpu.memory_space<vmem_shared>> -> memref<624x128xf32, #tpu.memory_space<vmem_shared>>
        tpu.enqueue_dma source(%dma_start3A_59 : memref<624x128xf32, #tpu.memory_space<vmem_shared>>) target(%dma_start3A_57 : memref<624x128xf32, #tpu.memory_space<hbm>>) target_semaphore(%run_scoped3A : memref<!tpu.dma_semaphore, #tpu.memory_space<semaphore_mem>>)
        %dma_wait3A = arith.constant 0 : i32
        %dma_wait3A_60 = tpu.memref_slice %arg6[%mul3A_56, %dma_wait3A] : memref<10000x128xf32, #tpu.memory_space<hbm>> -> memref<624x128xf32, #tpu.memory_space<hbm>>
        %dma_wait3A_61 = arith.constant 0 : i32
        %dma_wait3A_62 = tpu.memref_slice %arg11[%mul3A_54, %dma_wait3A_61] : memref<10008x128xf32, #tpu.memory_space<vmem_shared>> -> memref<624x128xf32, #tpu.memory_space<vmem_shared>>
        tpu.wait_dma2 semaphore(%run_scoped3A : memref<!tpu.dma_semaphore, #tpu.memory_space<semaphore_mem>>) src(%dma_wait3A_62 : memref<624x128xf32, #tpu.memory_space<vmem_shared>>) dst(%dma_wait3A_60 : memref<624x128xf32, #tpu.memory_space<hbm>>)
        tpu.yield
      }) : () -> ()
    } else {
    }
    %eq3A_33 = arith.constant 1 : i32
    %eq3A_34 = arith.cmpi eq, %arg0, %eq3A_33 : i32
    %convert_element_type3A_35 = arith.extui %eq3A_34 : i1 to i32
    %cond3A_36 = arith.constant 0 : i32
    %cond3A_37 = arith.cmpi ne, %convert_element_type3A_35, %cond3A_36 : i32
    scf.if %cond3A_37 {
      %mul3A = arith.constant 624 : i32
      %mul3A_54 = arith.muli %arg1, %mul3A : i32
      %mul3A_55 = arith.constant 624 : i32
      %mul3A_56 = arith.muli %arg1, %mul3A_55 : i32
      "tpu.region"() ({
        %run_scoped3A = tpu.sem_alloc : memref<!tpu.dma_semaphore, #tpu.memory_space<semaphore_mem>>
        %dma_start3A = arith.constant 0 : i32
        %dma_start3A_57 = tpu.memref_slice %arg7[%mul3A_56, %dma_start3A] : memref<10000x128xf32, #tpu.memory_space<hbm>> -> memref<624x128xf32, #tpu.memory_space<hbm>>
        %dma_start3A_58 = arith.constant 0 : i32
        %dma_start3A_59 = tpu.memref_slice %arg11[%mul3A_54, %dma_start3A_58] : memref<10008x128xf32, #tpu.memory_space<vmem_shared>> -> memref<624x128xf32, #tpu.memory_space<vmem_shared>>
        tpu.enqueue_dma source(%dma_start3A_59 : memref<624x128xf32, #tpu.memory_space<vmem_shared>>) target(%dma_start3A_57 : memref<624x128xf32, #tpu.memory_space<hbm>>) target_semaphore(%run_scoped3A : memref<!tpu.dma_semaphore, #tpu.memory_space<semaphore_mem>>)
        %dma_wait3A = arith.constant 0 : i32
        %dma_wait3A_60 = tpu.memref_slice %arg7[%mul3A_56, %dma_wait3A] : memref<10000x128xf32, #tpu.memory_space<hbm>> -> memref<624x128xf32, #tpu.memory_space<hbm>>
        %dma_wait3A_61 = arith.constant 0 : i32
        %dma_wait3A_62 = tpu.memref_slice %arg11[%mul3A_54, %dma_wait3A_61] : memref<10008x128xf32, #tpu.memory_space<vmem_shared>> -> memref<624x128xf32, #tpu.memory_space<vmem_shared>>
        tpu.wait_dma2 semaphore(%run_scoped3A : memref<!tpu.dma_semaphore, #tpu.memory_space<semaphore_mem>>) src(%dma_wait3A_62 : memref<624x128xf32, #tpu.memory_space<vmem_shared>>) dst(%dma_wait3A_60 : memref<624x128xf32, #tpu.memory_space<hbm>>)
        tpu.yield
      }) : () -> ()
    } else {
    }
    %eq3A_38 = arith.constant 0 : i32
    %eq3A_39 = arith.cmpi eq, %arg0, %eq3A_38 : i32
    %eq3A_40 = arith.constant 0 : i32
    %eq3A_41 = arith.cmpi eq, %arg1, %eq3A_40 : i32
    %and3A_42 = arith.andi %eq3A_39, %eq3A_41 : i1
    %convert_element_type3A_43 = arith.extui %and3A_42 : i1 to i32
    %cond3A_44 = arith.constant 0 : i32
    %cond3A_45 = arith.cmpi ne, %convert_element_type3A_43, %cond3A_44 : i32
    scf.if %cond3A_45 {
      "tpu.region"() ({
        %run_scoped3A = tpu.sem_alloc : memref<!tpu.dma_semaphore, #tpu.memory_space<semaphore_mem>>
        %dma_start3A = arith.constant 9984 : i32
        %dma_start3A_54 = arith.constant 0 : i32
        %dma_start3A_55 = tpu.memref_slice %arg6[%dma_start3A, %dma_start3A_54] : memref<10000x128xf32, #tpu.memory_space<hbm>> -> memref<16x128xf32, #tpu.memory_space<hbm>>
        %dma_start3A_56 = arith.constant 9984 : i32
        %dma_start3A_57 = arith.constant 0 : i32
        %dma_start3A_58 = tpu.memref_slice %arg11[%dma_start3A_56, %dma_start3A_57] : memref<10008x128xf32, #tpu.memory_space<vmem_shared>> -> memref<16x128xf32, #tpu.memory_space<vmem_shared>>
        tpu.enqueue_dma source(%dma_start3A_58 : memref<16x128xf32, #tpu.memory_space<vmem_shared>>) target(%dma_start3A_55 : memref<16x128xf32, #tpu.memory_space<hbm>>) target_semaphore(%run_scoped3A : memref<!tpu.dma_semaphore, #tpu.memory_space<semaphore_mem>>)
        %dma_wait3A = arith.constant 9984 : i32
        %dma_wait3A_59 = arith.constant 0 : i32
        %dma_wait3A_60 = tpu.memref_slice %arg6[%dma_wait3A, %dma_wait3A_59] : memref<10000x128xf32, #tpu.memory_space<hbm>> -> memref<16x128xf32, #tpu.memory_space<hbm>>
        %dma_wait3A_61 = arith.constant 9984 : i32
        %dma_wait3A_62 = arith.constant 0 : i32
        %dma_wait3A_63 = tpu.memref_slice %arg11[%dma_wait3A_61, %dma_wait3A_62] : memref<10008x128xf32, #tpu.memory_space<vmem_shared>> -> memref<16x128xf32, #tpu.memory_space<vmem_shared>>
        tpu.wait_dma2 semaphore(%run_scoped3A : memref<!tpu.dma_semaphore, #tpu.memory_space<semaphore_mem>>) src(%dma_wait3A_63 : memref<16x128xf32, #tpu.memory_space<vmem_shared>>) dst(%dma_wait3A_60 : memref<16x128xf32, #tpu.memory_space<hbm>>)
        tpu.yield
      }) : () -> ()
    } else {
    }
    %eq3A_46 = arith.constant 1 : i32
    %eq3A_47 = arith.cmpi eq, %arg0, %eq3A_46 : i32
    %eq3A_48 = arith.constant 0 : i32
    %eq3A_49 = arith.cmpi eq, %arg1, %eq3A_48 : i32
    %and3A_50 = arith.andi %eq3A_47, %eq3A_49 : i1
    %convert_element_type3A_51 = arith.extui %and3A_50 : i1 to i32
    %cond3A_52 = arith.constant 0 : i32
    %cond3A_53 = arith.cmpi ne, %convert_element_type3A_51, %cond3A_52 : i32
    scf.if %cond3A_53 {
      "tpu.region"() ({
        %run_scoped3A = tpu.sem_alloc : memref<!tpu.dma_semaphore, #tpu.memory_space<semaphore_mem>>
        %dma_start3A = arith.constant 9984 : i32
        %dma_start3A_54 = arith.constant 0 : i32
        %dma_start3A_55 = tpu.memref_slice %arg7[%dma_start3A, %dma_start3A_54] : memref<10000x128xf32, #tpu.memory_space<hbm>> -> memref<16x128xf32, #tpu.memory_space<hbm>>
        %dma_start3A_56 = arith.constant 9984 : i32
        %dma_start3A_57 = arith.constant 0 : i32
        %dma_start3A_58 = tpu.memref_slice %arg11[%dma_start3A_56, %dma_start3A_57] : memref<10008x128xf32, #tpu.memory_space<vmem_shared>> -> memref<16x128xf32, #tpu.memory_space<vmem_shared>>
        tpu.enqueue_dma source(%dma_start3A_58 : memref<16x128xf32, #tpu.memory_space<vmem_shared>>) target(%dma_start3A_55 : memref<16x128xf32, #tpu.memory_space<hbm>>) target_semaphore(%run_scoped3A : memref<!tpu.dma_semaphore, #tpu.memory_space<semaphore_mem>>)
        %dma_wait3A = arith.constant 9984 : i32
        %dma_wait3A_59 = arith.constant 0 : i32
        %dma_wait3A_60 = tpu.memref_slice %arg7[%dma_wait3A, %dma_wait3A_59] : memref<10000x128xf32, #tpu.memory_space<hbm>> -> memref<16x128xf32, #tpu.memory_space<hbm>>
        %dma_wait3A_61 = arith.constant 9984 : i32
        %dma_wait3A_62 = arith.constant 0 : i32
        %dma_wait3A_63 = tpu.memref_slice %arg11[%dma_wait3A_61, %dma_wait3A_62] : memref<10008x128xf32, #tpu.memory_space<vmem_shared>> -> memref<16x128xf32, #tpu.memory_space<vmem_shared>>
        tpu.wait_dma2 semaphore(%run_scoped3A : memref<!tpu.dma_semaphore, #tpu.memory_space<semaphore_mem>>) src(%dma_wait3A_63 : memref<16x128xf32, #tpu.memory_space<vmem_shared>>) dst(%dma_wait3A_60 : memref<16x128xf32, #tpu.memory_space<hbm>>)
        tpu.yield
      }) : () -> ()
    } else {
    }
    return
  }
}

module attributes {stable_mosaic.version = 14 : i64} {
  func.func @_mlp1_body(%arg0: i32, %arg1: memref<2000x128xf32, #tpu.memory_space<vmem>>, %arg2: memref<2000x128xf32, #tpu.memory_space<vmem>>, %arg3: memref<256x256xf32, #tpu.memory_space<vmem>>, %arg4: memref<1x256xf32, #tpu.memory_space<vmem>>, %arg5: memref<1x256xf32, #tpu.memory_space<vmem>>, %arg6: memref<256x256xf32, #tpu.memory_space<vmem>>, %arg7: memref<1x256xf32, #tpu.memory_space<vmem>>, %arg8: memref<2000x128xf32, #tpu.memory_space<vmem>>, %arg9: memref<2000x128xf32, #tpu.memory_space<vmem>>) attributes {dimension_semantics = [#tpu.dimension_semantics<arbitrary>], iteration_bounds = array<i64: 5>, scalar_prefetch = 0 : i64, scratch_operands = 0 : i64, tpu.core_type = #tpu.core_type<tc>, window_params = [{transform_indices = @transform_0, window_bounds = array<i64: 2000, 128>}, {transform_indices = @transform_1, window_bounds = array<i64: 2000, 128>}, {pipeline_mode = #tpu.pipeline_mode<synchronous>, transform_indices = @transform_2, window_bounds = array<i64: 256, 256>}, {pipeline_mode = #tpu.pipeline_mode<synchronous>, transform_indices = @transform_3, window_bounds = array<i64: 1, 256>}, {pipeline_mode = #tpu.pipeline_mode<synchronous>, transform_indices = @transform_4, window_bounds = array<i64: 1, 256>}, {pipeline_mode = #tpu.pipeline_mode<synchronous>, transform_indices = @transform_5, window_bounds = array<i64: 256, 256>}, {pipeline_mode = #tpu.pipeline_mode<synchronous>, transform_indices = @transform_6, window_bounds = array<i64: 1, 256>}, {transform_indices = @transform_7, window_bounds = array<i64: 2000, 128>}, {transform_indices = @transform_8, window_bounds = array<i64: 2000, 128>}]} {
    %get3A = arith.constant 0 : index
    %get3A_0 = arith.constant 0 : index
    %get3A_1 = vector.load %arg1[%get3A, %get3A_0] : memref<2000x128xf32, #tpu.memory_space<vmem>>, vector<2000x128xf32>
    %get3A_2 = arith.constant 0 : index
    %get3A_3 = arith.constant 0 : index
    %get3A_4 = vector.load %arg2[%get3A_2, %get3A_3] : memref<2000x128xf32, #tpu.memory_space<vmem>>, vector<2000x128xf32>
    %concatenate3A = tpu.concatenate %get3A_1, %get3A_4 in 1 : vector<2000x128xf32>, vector<2000x128xf32> -> vector<2000x256xf32>
    %get3A_5 = arith.constant 0 : index
    %get3A_6 = arith.constant 0 : index
    %get3A_7 = vector.load %arg3[%get3A_5, %get3A_6] : memref<256x256xf32, #tpu.memory_space<vmem>>, vector<256x256xf32>
    %dot_general3A = arith.constant dense<0.000000e+00> : vector<2000x256xf32>
    %dot_general3A_8 = tpu.matmul %concatenate3A, %get3A_7, %dot_general3A {dimension_numbers = #tpu.dot_dimension_numbers<[1], [0], [0], [1], [0, 0, 1, 1], [], []>, transpose_lhs_hint = false} : vector<2000x256xf32>, vector<256x256xf32>, vector<2000x256xf32> -> vector<2000x256xf32>
    %get3A_9 = arith.constant 0 : index
    %get3A_10 = arith.constant 0 : index
    %get3A_11 = vector.load %arg4[%get3A_9, %get3A_10] : memref<1x256xf32, #tpu.memory_space<vmem>>, vector<1x256xf32>
    %mul3A = vector.broadcast %get3A_11 : vector<1x256xf32> to vector<2000x256xf32>
    %mul3A_12 = arith.mulf %dot_general3A_8, %mul3A : vector<2000x256xf32>
    %get3A_13 = arith.constant 0 : index
    %get3A_14 = arith.constant 0 : index
    %get3A_15 = vector.load %arg5[%get3A_13, %get3A_14] : memref<1x256xf32, #tpu.memory_space<vmem>>, vector<1x256xf32>
    %add3A = vector.broadcast %get3A_15 : vector<1x256xf32> to vector<2000x256xf32>
    %add3A_16 = arith.addf %mul3A_12, %add3A : vector<2000x256xf32>
    %max3A = arith.constant 0.000000e+00 : f32
    %max3A_17 = vector.broadcast %max3A : f32 to vector<2000x256xf32>
    %max3A_18 = arith.maximumf %add3A_16, %max3A_17 : vector<2000x256xf32>
    %get3A_19 = arith.constant 0 : index
    %get3A_20 = arith.constant 0 : index
    %get3A_21 = vector.load %arg6[%get3A_19, %get3A_20] : memref<256x256xf32, #tpu.memory_space<vmem>>, vector<256x256xf32>
    %dot_general3A_22 = arith.constant dense<0.000000e+00> : vector<2000x256xf32>
    %dot_general3A_23 = tpu.matmul %max3A_18, %get3A_21, %dot_general3A_22 {dimension_numbers = #tpu.dot_dimension_numbers<[1], [0], [0], [1], [0, 0, 1, 1], [], []>, transpose_lhs_hint = false} : vector<2000x256xf32>, vector<256x256xf32>, vector<2000x256xf32> -> vector<2000x256xf32>
    %get3A_24 = arith.constant 0 : index
    %get3A_25 = arith.constant 0 : index
    %get3A_26 = vector.load %arg7[%get3A_24, %get3A_25] : memref<1x256xf32, #tpu.memory_space<vmem>>, vector<1x256xf32>
    %add3A_27 = vector.broadcast %get3A_26 : vector<1x256xf32> to vector<2000x256xf32>
    %add3A_28 = arith.addf %dot_general3A_23, %add3A_27 : vector<2000x256xf32>
    %max3A_29 = arith.constant 0.000000e+00 : f32
    %max3A_30 = vector.broadcast %max3A_29 : f32 to vector<2000x256xf32>
    %max3A_31 = arith.maximumf %add3A_28, %max3A_30 : vector<2000x256xf32>
    %slice3A = vector.extract_strided_slice %max3A_31 {offsets = [0, 0], sizes = [2000, 128], strides = [1, 1]} : vector<2000x256xf32> to vector<2000x128xf32>
    %swap3A = arith.constant 0 : index
    %swap3A_32 = arith.constant 0 : index
    %swap3A_33 = vector.load %arg8[%swap3A, %swap3A_32] : memref<2000x128xf32, #tpu.memory_space<vmem>>, vector<2000x128xf32>
    tpu.vector_store %arg8[%swap3A, %swap3A_32], %slice3A {strides = array<i32>} : memref<2000x128xf32, #tpu.memory_space<vmem>>, vector<2000x128xf32>,
    %slice3A_34 = vector.extract_strided_slice %max3A_31 {offsets = [0, 128], sizes = [2000, 128], strides = [1, 1]} : vector<2000x256xf32> to vector<2000x128xf32>
    %swap3A_35 = arith.constant 0 : index
    %swap3A_36 = arith.constant 0 : index
    %swap3A_37 = vector.load %arg9[%swap3A_35, %swap3A_36] : memref<2000x128xf32, #tpu.memory_space<vmem>>, vector<2000x128xf32>
    tpu.vector_store %arg9[%swap3A_35, %swap3A_36], %slice3A_34 {strides = array<i32>} : memref<2000x128xf32, #tpu.memory_space<vmem>>, vector<2000x128xf32>,
    return
  }
  func.func @transform_0(%arg0: i32) -> (i32, i32) {
    %c0_i32 = arith.constant 0 : i32
    %c0_i32_0 = arith.constant 0 : i32
    return %arg0, %c0_i32 : i32, i32
  }
  func.func @transform_1(%arg0: i32) -> (i32, i32) {
    %c0_i32 = arith.constant 0 : i32
    %c0_i32_0 = arith.constant 0 : i32
    return %arg0, %c0_i32 : i32, i32
  }
  func.func @transform_2(%arg0: i32) -> (i32, i32) {
    %c0_i32 = arith.constant 0 : i32
    %c0_i32_0 = arith.constant 0 : i32
    %c0_i32_1 = arith.constant 0 : i32
    return %c0_i32, %c0_i32_0 : i32, i32
  }
  func.func @transform_3(%arg0: i32) -> (i32, i32) {
    %c0_i32 = arith.constant 0 : i32
    %c0_i32_0 = arith.constant 0 : i32
    %c0_i32_1 = arith.constant 0 : i32
    return %c0_i32, %c0_i32_0 : i32, i32
  }
  func.func @transform_4(%arg0: i32) -> (i32, i32) {
    %c0_i32 = arith.constant 0 : i32
    %c0_i32_0 = arith.constant 0 : i32
    %c0_i32_1 = arith.constant 0 : i32
    return %c0_i32, %c0_i32_0 : i32, i32
  }
  func.func @transform_5(%arg0: i32) -> (i32, i32) {
    %c0_i32 = arith.constant 0 : i32
    %c0_i32_0 = arith.constant 0 : i32
    %c0_i32_1 = arith.constant 0 : i32
    return %c0_i32, %c0_i32_0 : i32, i32
  }
  func.func @transform_6(%arg0: i32) -> (i32, i32) {
    %c0_i32 = arith.constant 0 : i32
    %c0_i32_0 = arith.constant 0 : i32
    %c0_i32_1 = arith.constant 0 : i32
    return %c0_i32, %c0_i32_0 : i32, i32
  }
  func.func @transform_7(%arg0: i32) -> (i32, i32) {
    %c0_i32 = arith.constant 0 : i32
    %c0_i32_0 = arith.constant 0 : i32
    return %arg0, %c0_i32 : i32, i32
  }
  func.func @transform_8(%arg0: i32) -> (i32, i32) {
    %c0_i32 = arith.constant 0 : i32
    %c0_i32_0 = arith.constant 0 : i32
    return %arg0, %c0_i32 : i32, i32
  }
}

module attributes {stable_mosaic.version = 14 : i64} {
  func.func @_mlp2pool_body(%arg0: i32, %arg1: memref<2000x128xf32, #tpu.memory_space<vmem>>, %arg2: memref<2000x128xf32, #tpu.memory_space<vmem>>, %arg3: memref<256x256xf32, #tpu.memory_space<vmem>>, %arg4: memref<1x256xf32, #tpu.memory_space<vmem>>, %arg5: memref<1x256xf32, #tpu.memory_space<vmem>>, %arg6: memref<1x1x2000xi32, #tpu.memory_space<vmem>>, %arg7: memref<64x32xf32, #tpu.memory_space<vmem>>, %arg8: memref<32x256xf32, #tpu.memory_space<vmem>>, %arg9: memref<1x256xf32, #tpu.memory_space<vmem>>, %arg10: memref<256x10xf32, #tpu.memory_space<vmem>>, %arg11: memref<256x10xf32, #tpu.memory_space<vmem>>, %arg12: memref<1x10xf32, #tpu.memory_space<vmem>>, %arg13: memref<64x10xf32, #tpu.memory_space<vmem>>, %arg14: memref<64x256xf32, #tpu.memory_space<vmem>>) attributes {dimension_semantics = [#tpu.dimension_semantics<arbitrary>], iteration_bounds = array<i64: 5>, scalar_prefetch = 0 : i64, scratch_operands = 0 : i64, tpu.core_type = #tpu.core_type<tc>, window_params = [{transform_indices = @transform_0, window_bounds = array<i64: 2000, 128>}, {transform_indices = @transform_1, window_bounds = array<i64: 2000, 128>}, {pipeline_mode = #tpu.pipeline_mode<synchronous>, transform_indices = @transform_2, window_bounds = array<i64: 256, 256>}, {pipeline_mode = #tpu.pipeline_mode<synchronous>, transform_indices = @transform_3, window_bounds = array<i64: 1, 256>}, {pipeline_mode = #tpu.pipeline_mode<synchronous>, transform_indices = @transform_4, window_bounds = array<i64: 1, 256>}, {transform_indices = @transform_5, window_bounds = array<i64: 1, 1, 2000>}, {pipeline_mode = #tpu.pipeline_mode<synchronous>, transform_indices = @transform_6, window_bounds = array<i64: 64, 32>}, {pipeline_mode = #tpu.pipeline_mode<synchronous>, transform_indices = @transform_7, window_bounds = array<i64: 32, 256>}, {pipeline_mode = #tpu.pipeline_mode<synchronous>, transform_indices = @transform_8, window_bounds = array<i64: 1, 256>}, {pipeline_mode = #tpu.pipeline_mode<synchronous>, transform_indices = @transform_9, window_bounds = array<i64: 256, 10>}, {pipeline_mode = #tpu.pipeline_mode<synchronous>, transform_indices = @transform_10, window_bounds = array<i64: 256, 10>}, {pipeline_mode = #tpu.pipeline_mode<synchronous>, transform_indices = @transform_11, window_bounds = array<i64: 1, 10>}, {pipeline_mode = #tpu.pipeline_mode<synchronous>, transform_indices = @transform_12, window_bounds = array<i64: 64, 10>}, {pipeline_mode = #tpu.pipeline_mode<synchronous>, transform_indices = @transform_13, window_bounds = array<i64: 64, 256>}]} {
    %get3A = arith.constant 0 : index
    %get3A_0 = arith.constant 0 : index
    %get3A_1 = vector.load %arg1[%get3A, %get3A_0] : memref<2000x128xf32, #tpu.memory_space<vmem>>, vector<2000x128xf32>
    %get3A_2 = arith.constant 0 : index
    %get3A_3 = arith.constant 0 : index
    %get3A_4 = vector.load %arg2[%get3A_2, %get3A_3] : memref<2000x128xf32, #tpu.memory_space<vmem>>, vector<2000x128xf32>
    %concatenate3A = tpu.concatenate %get3A_1, %get3A_4 in 1 : vector<2000x128xf32>, vector<2000x128xf32> -> vector<2000x256xf32>
    %get3A_5 = arith.constant 0 : index
    %get3A_6 = arith.constant 0 : index
    %get3A_7 = vector.load %arg3[%get3A_5, %get3A_6] : memref<256x256xf32, #tpu.memory_space<vmem>>, vector<256x256xf32>
    %dot_general3A = arith.constant dense<0.000000e+00> : vector<2000x256xf32>
    %dot_general3A_8 = tpu.matmul %concatenate3A, %get3A_7, %dot_general3A {dimension_numbers = #tpu.dot_dimension_numbers<[1], [0], [0], [1], [0, 0, 1, 1], [], []>, transpose_lhs_hint = false} : vector<2000x256xf32>, vector<256x256xf32>, vector<2000x256xf32> -> vector<2000x256xf32>
    %get3A_9 = arith.constant 0 : index
    %get3A_10 = arith.constant 0 : index
    %get3A_11 = vector.load %arg4[%get3A_9, %get3A_10] : memref<1x256xf32, #tpu.memory_space<vmem>>, vector<1x256xf32>
    %mul3A = vector.broadcast %get3A_11 : vector<1x256xf32> to vector<2000x256xf32>
    %mul3A_12 = arith.mulf %dot_general3A_8, %mul3A : vector<2000x256xf32>
    %get3A_13 = arith.constant 0 : index
    %get3A_14 = arith.constant 0 : index
    %get3A_15 = vector.load %arg5[%get3A_13, %get3A_14] : memref<1x256xf32, #tpu.memory_space<vmem>>, vector<1x256xf32>
    %add3A = vector.broadcast %get3A_15 : vector<1x256xf32> to vector<2000x256xf32>
    %add3A_16 = arith.addf %mul3A_12, %add3A : vector<2000x256xf32>
    %max3A = arith.constant 0.000000e+00 : f32
    %max3A_17 = vector.broadcast %max3A : f32 to vector<2000x256xf32>
    %max3A_18 = arith.maximumf %add3A_16, %max3A_17 : vector<2000x256xf32>
    %iota3A = tpu.iota {dimensions = array<i32: 0>} : vector<64x2000xi32>
    %get3A_19 = arith.constant 0 : index
    %get3A_20 = arith.constant 0 : index
    %get3A_21 = arith.constant 0 : index
    %get3A_22 = vector.load %arg6[%get3A_19, %get3A_20, %get3A_21] : memref<1x1x2000xi32, #tpu.memory_space<vmem>>, vector<1x1x2000xi32>
    %get3A_23 = vector.shape_cast %get3A_22 : vector<1x1x2000xi32> to vector<1x2000xi32>
    %eq3A = vector.broadcast %get3A_23 : vector<1x2000xi32> to vector<64x2000xi32>
    %eq3A_24 = arith.cmpi eq, %iota3A, %eq3A : vector<64x2000xi32>
    %convert_element_type3A = arith.extui %eq3A_24 : vector<64x2000xi1> to vector<64x2000xi32>
    %convert_element_type3A_25 = arith.sitofp %convert_element_type3A : vector<64x2000xi32> to vector<64x2000xf32>
    %dot_general3A_26 = arith.constant dense<0.000000e+00> : vector<64x256xf32>
    %dot_general3A_27 = tpu.matmul %convert_element_type3A_25, %max3A_18, %dot_general3A_26 {dimension_numbers = #tpu.dot_dimension_numbers<[1], [0], [0], [1], [0, 0, 1, 1], [], []>, transpose_lhs_hint = false} : vector<64x2000xf32>, vector<2000x256xf32>, vector<64x256xf32> -> vector<64x256xf32>
    %eq3A_28 = arith.constant 0 : i32
    %eq3A_29 = arith.cmpi eq, %arg0, %eq3A_28 : i32
    %convert_element_type3A_30 = arith.extui %eq3A_29 : i1 to i32
    %cond3A = arith.constant 0 : i32
    %cond3A_31 = arith.cmpi ne, %convert_element_type3A_30, %cond3A : i32
    scf.if %cond3A_31 {
      %broadcast_in_dim3A = arith.constant 0.000000e+00 : f32
      %broadcast_in_dim3A_43 = vector.broadcast %broadcast_in_dim3A : f32 to vector<64x256xf32>
      %swap3A_44 = arith.constant 0 : index
      %swap3A_45 = arith.constant 0 : index
      %swap3A_46 = vector.load %arg14[%swap3A_44, %swap3A_45] : memref<64x256xf32, #tpu.memory_space<vmem>>, vector<64x256xf32>
      tpu.vector_store %arg14[%swap3A_44, %swap3A_45], %broadcast_in_dim3A_43 {strides = array<i32>} : memref<64x256xf32, #tpu.memory_space<vmem>>, vector<64x256xf32>,
    } else {
    }
    %get3A_32 = arith.constant 0 : index
    %get3A_33 = arith.constant 0 : index
    %get3A_34 = vector.load %arg14[%get3A_32, %get3A_33] : memref<64x256xf32, #tpu.memory_space<vmem>>, vector<64x256xf32>
    %add3A_35 = arith.addf %get3A_34, %dot_general3A_27 : vector<64x256xf32>
    %swap3A = arith.constant 0 : index
    %swap3A_36 = arith.constant 0 : index
    %swap3A_37 = vector.load %arg14[%swap3A, %swap3A_36] : memref<64x256xf32, #tpu.memory_space<vmem>>, vector<64x256xf32>
    tpu.vector_store %arg14[%swap3A, %swap3A_36], %add3A_35 {strides = array<i32>} : memref<64x256xf32, #tpu.memory_space<vmem>>, vector<64x256xf32>,
    %eq3A_38 = arith.constant 4 : i32
    %eq3A_39 = arith.cmpi eq, %arg0, %eq3A_38 : i32
    %convert_element_type3A_40 = arith.extui %eq3A_39 : i1 to i32
    %cond3A_41 = arith.constant 0 : i32
    %cond3A_42 = arith.cmpi ne, %convert_element_type3A_40, %cond3A_41 : i32
    scf.if %cond3A_42 {
      %get3A_43 = arith.constant 0 : index
      %get3A_44 = arith.constant 0 : index
      %get3A_45 = vector.load %arg7[%get3A_43, %get3A_44] : memref<64x32xf32, #tpu.memory_space<vmem>>, vector<64x32xf32>
      %get3A_46 = arith.constant 0 : index
      %get3A_47 = arith.constant 0 : index
      %get3A_48 = vector.load %arg8[%get3A_46, %get3A_47] : memref<32x256xf32, #tpu.memory_space<vmem>>, vector<32x256xf32>
      %dot_general3A_49 = arith.constant dense<0.000000e+00> : vector<64x256xf32>
      %dot_general3A_50 = tpu.matmul %get3A_45, %get3A_48, %dot_general3A_49 {dimension_numbers = #tpu.dot_dimension_numbers<[1], [0], [0], [1], [0, 0, 1, 1], [], []>, transpose_lhs_hint = false} : vector<64x32xf32>, vector<32x256xf32>, vector<64x256xf32> -> vector<64x256xf32>
      %get3A_51 = arith.constant 0 : index
      %get3A_52 = arith.constant 0 : index
      %get3A_53 = vector.load %arg9[%get3A_51, %get3A_52] : memref<1x256xf32, #tpu.memory_space<vmem>>, vector<1x256xf32>
      %add3A_54 = vector.broadcast %get3A_53 : vector<1x256xf32> to vector<64x256xf32>
      %add3A_55 = arith.addf %dot_general3A_50, %add3A_54 : vector<64x256xf32>
      %max3A_56 = arith.constant 0.000000e+00 : f32
      %max3A_57 = vector.broadcast %max3A_56 : f32 to vector<64x256xf32>
      %max3A_58 = arith.maximumf %add3A_55, %max3A_57 : vector<64x256xf32>
      %get3A_59 = arith.constant 0 : index
      %get3A_60 = arith.constant 0 : index
      %get3A_61 = vector.load %arg14[%get3A_59, %get3A_60] : memref<64x256xf32, #tpu.memory_space<vmem>>, vector<64x256xf32>
      %get3A_62 = arith.constant 0 : index
      %get3A_63 = arith.constant 0 : index
      %get3A_64 = vector.load %arg10[%get3A_62, %get3A_63] : memref<256x10xf32, #tpu.memory_space<vmem>>, vector<256x10xf32>
      %dot_general3A_65 = arith.constant dense<0.000000e+00> : vector<64x10xf32>
      %dot_general3A_66 = tpu.matmul %get3A_61, %get3A_64, %dot_general3A_65 {dimension_numbers = #tpu.dot_dimension_numbers<[1], [0], [0], [1], [0, 0, 1, 1], [], []>, transpose_lhs_hint = false} : vector<64x256xf32>, vector<256x10xf32>, vector<64x10xf32> -> vector<64x10xf32>
      %get3A_67 = arith.constant 0 : index
      %get3A_68 = arith.constant 0 : index
      %get3A_69 = vector.load %arg11[%get3A_67, %get3A_68] : memref<256x10xf32, #tpu.memory_space<vmem>>, vector<256x10xf32>
      %dot_general3A_70 = arith.constant dense<0.000000e+00> : vector<64x10xf32>
      %dot_general3A_71 = tpu.matmul %max3A_58, %get3A_69, %dot_general3A_70 {dimension_numbers = #tpu.dot_dimension_numbers<[1], [0], [0], [1], [0, 0, 1, 1], [], []>, transpose_lhs_hint = false} : vector<64x256xf32>, vector<256x10xf32>, vector<64x10xf32> -> vector<64x10xf32>
      %add3A_72 = arith.addf %dot_general3A_66, %dot_general3A_71 : vector<64x10xf32>
      %get3A_73 = arith.constant 0 : index
      %get3A_74 = arith.constant 0 : index
      %get3A_75 = vector.load %arg12[%get3A_73, %get3A_74] : memref<1x10xf32, #tpu.memory_space<vmem>>, vector<1x10xf32>
      %add3A_76 = vector.broadcast %get3A_75 : vector<1x10xf32> to vector<64x10xf32>
      %add3A_77 = arith.addf %add3A_72, %add3A_76 : vector<64x10xf32>
      %swap3A_78 = arith.constant 0 : index
      %swap3A_79 = arith.constant 0 : index
      %swap3A_80 = vector.load %arg13[%swap3A_78, %swap3A_79] : memref<64x10xf32, #tpu.memory_space<vmem>>, vector<64x10xf32>
      tpu.vector_store %arg13[%swap3A_78, %swap3A_79], %add3A_77 {strides = array<i32>} : memref<64x10xf32, #tpu.memory_space<vmem>>, vector<64x10xf32>,
    } else {
    }
    return
  }
  func.func @transform_0(%arg0: i32) -> (i32, i32) {
    %c0_i32 = arith.constant 0 : i32
    %c0_i32_0 = arith.constant 0 : i32
    return %arg0, %c0_i32 : i32, i32
  }
  func.func @transform_1(%arg0: i32) -> (i32, i32) {
    %c0_i32 = arith.constant 0 : i32
    %c0_i32_0 = arith.constant 0 : i32
    return %arg0, %c0_i32 : i32, i32
  }
  func.func @transform_2(%arg0: i32) -> (i32, i32) {
    %c0_i32 = arith.constant 0 : i32
    %c0_i32_0 = arith.constant 0 : i32
    %c0_i32_1 = arith.constant 0 : i32
    return %c0_i32, %c0_i32_0 : i32, i32
  }
  func.func @transform_3(%arg0: i32) -> (i32, i32) {
    %c0_i32 = arith.constant 0 : i32
    %c0_i32_0 = arith.constant 0 : i32
    %c0_i32_1 = arith.constant 0 : i32
    return %c0_i32, %c0_i32_0 : i32, i32
  }
  func.func @transform_4(%arg0: i32) -> (i32, i32) {
    %c0_i32 = arith.constant 0 : i32
    %c0_i32_0 = arith.constant 0 : i32
    %c0_i32_1 = arith.constant 0 : i32
    return %c0_i32, %c0_i32_0 : i32, i32
  }
  func.func @transform_5(%arg0: i32) -> (i32, i32, i32) {
    %c0_i32 = arith.constant 0 : i32
    %c0_i32_0 = arith.constant 0 : i32
    %c0_i32_1 = arith.constant 0 : i32
    return %arg0, %c0_i32, %c0_i32_0 : i32, i32, i32
  }
  func.func @transform_6(%arg0: i32) -> (i32, i32) {
    %c0_i32 = arith.constant 0 : i32
    %c0_i32_0 = arith.constant 0 : i32
    %c0_i32_1 = arith.constant 0 : i32
    return %c0_i32, %c0_i32_0 : i32, i32
  }
  func.func @transform_7(%arg0: i32) -> (i32, i32) {
    %c0_i32 = arith.constant 0 : i32
    %c0_i32_0 = arith.constant 0 : i32
    %c0_i32_1 = arith.constant 0 : i32
    return %c0_i32, %c0_i32_0 : i32, i32
  }
  func.func @transform_8(%arg0: i32) -> (i32, i32) {
    %c0_i32 = arith.constant 0 : i32
    %c0_i32_0 = arith.constant 0 : i32
    %c0_i32_1 = arith.constant 0 : i32
    return %c0_i32, %c0_i32_0 : i32, i32
  }
  func.func @transform_9(%arg0: i32) -> (i32, i32) {
    %c0_i32 = arith.constant 0 : i32
    %c0_i32_0 = arith.constant 0 : i32
    %c0_i32_1 = arith.constant 0 : i32
    return %c0_i32, %c0_i32_0 : i32, i32
  }
  func.func @transform_10(%arg0: i32) -> (i32, i32) {
    %c0_i32 = arith.constant 0 : i32
    %c0_i32_0 = arith.constant 0 : i32
    %c0_i32_1 = arith.constant 0 : i32
    return %c0_i32, %c0_i32_0 : i32, i32
  }
  func.func @transform_11(%arg0: i32) -> (i32, i32) {
    %c0_i32 = arith.constant 0 : i32
    %c0_i32_0 = arith.constant 0 : i32
    %c0_i32_1 = arith.constant 0 : i32
    return %c0_i32, %c0_i32_0 : i32, i32
  }
  func.func @transform_12(%arg0: i32) -> (i32, i32) {
    %c0_i32 = arith.constant 0 : i32
    %c0_i32_0 = arith.constant 0 : i32
    %c0_i32_1 = arith.constant 0 : i32
    return %c0_i32, %c0_i32_0 : i32, i32
  }
  func.func @transform_13(%arg0: i32) -> (i32, i32) {
    %c0_i32 = arith.constant 0 : i32
    %c0_i32_0 = arith.constant 0 : i32
    %c0_i32_1 = arith.constant 0 : i32
    return %c0_i32, %c0_i32_0 : i32, i32
  }
}

</mosaic_0001>

<sc_bundles>
// kernel: kernel.6.cloned.1.call-start
scs
__scs_entry_jumppad:
0x0: {  	(pc) =	sbr.rel $0x88, $3  }
0x1: {  	(tag) =	ssettag $0x0;
	lr =	simm.s32 $0x1  }
0x2: {  	[smem:$0x3F8B] =	sst lr;
	_ =	strace $0xD0000000  }
0x3: {  	_ = 	snop  }
0x4: {  	_ = 	snop  }
0x5: {  	_ = 	snop  }
0x6: {  	_ = 	snop  }
0x7: {  	_ = 	snop  }
__scs_overlays_trampoline_lowered:
0x8: {  	[smem:$0x3F9A] =	sst s0  }
0x9: {  	[smem:$0x3F9B] =	sst s1  }
0xa: {  	[smem:$0x3F9C] =	sst s2  }
0xb: {  	[smem:$0x3F9D] =	sst s3  }
0xc: {  	[smem:$0x3F9E] =	sst s4  }
0xd: {  	[smem:$0x3F9F] =	sst s5  }
0xe: {  	[smem:$0x3FA0] =	sst s6  }
0xf: {  	[smem:$0x3FA1] =	sst s7  }
0x10: {  	[smem:$0x3FA2] =	sst s8  }
0x11: {  	[smem:$0x3FA3] =	sst s9;
	s0 =	simm.s32 @!p0 $0x0  }
0x12: {  	s1 =	sld [smem:$0x3F89];
	s0 =	simm.s32 @p0 $0x1  }
0x13: {  	[smem:$0x3FA4] =	sst s0;
	s0 =	simm.s32 @!p1 $0x0  }
0x14: {  	s2 =	sld [smem:$0x3F88];
	s0 =	simm.s32 @p1 $0x1  }
0x15: {  	[smem:$0x3FA5] =	sst s0;
	s0 =	simm.s32 @!p2 $0x0  }
0x16: {  	s3 =	sld [smem:$0x3FDB];
	s0 =	simm.s32 @p2 $0x1  }
0x17: {  	s4 =	simm.s32 $0x1BF5;
	[smem:$0x3FA7] =	sst s0  }
0x18: {  	s0 =	sld [smem:$0x3F8A];
	_ =	swait.ge [sflag:s4], $0x0  }
0x19: {  	s7 =	sld [smem:$0x3F8B]  }
0x1a: {  	s8 =	sadd.s32 $0xFFFFE003, lr  }
0x1b: {  	s9 =	sadd.s32 $0xFFFFFEF7, lr;
	s5 =	simm.s32 $0xFFFFFFFF;
	p2 =	slt.u32 s8, $0xFFFFF086  }
0x1c: {  	p1 =	slt.u32 s9, $0xF7A;
	s5 =	simm.s32 @!p2 $0x0  }
0x1d: {  	s5 =	simm.s32 @p1 $0x1;
	p0 =	seq.s32 s7, s2  }
0x1e: {  	s7 =	smul.u32 @!p0 $0xF7A, s2;
	p2 =	seq.s32 @!p0 s5, $0x0  }
0x1f: {  	s9 =	smul.u32 $0xF7A, s1;
	s8 =	simm.s32 @!p0 $0x1BF5;
	p2 =	por !p2, p0  }
0x20: {  	[sflag:s8] =	ssyncset.s32 @!p0 $0xFFFFF086;
	s6 =	sadd.s32 @!p0 s3, s7;
	s7 =	simm.s32 @!p0 $0x108  }
0x21: {  	s3 =	sadd.s32 s3, s9;
	s6 =	sadd.s32 @!p0 $0x88, s6;
	s7 =	simm.s32 @p2 $0x1082  }
0x22: {  	[simem:s7], [sflag:s8] =	dma.local @!p0 [hbm:s6], $0xF7A  }
0x23: {  	s9 =	sor.u32 $0xD0000000, s2;
	s6 =	simm.s32 $0x108;
	_ =	swait.ge @!p0 [sflag:s8], $0x0  }
0x24: {  	s3 =	sadd.s32 $0x88, s3;
	s6 =	simm.s32 @!p1 $0x1082;
	[sflag:s4] =	ssyncset.s32 $0xFFFFF086  }
0x25: {  	[simem:s6], [sflag:s4] =	dma.local [hbm:s3], $0xF7A  }
0x26: {  	[smem:$0x3F8B] =	sst s1;
	(tag) =	ssettag s2;
	_ =	strace s9  }
0x27: {  	s1 =	sld [smem:$0x3F9B]  }
0x28: {  	s2 =	sld [smem:$0x3F9C]  }
0x29: {  	s4 =	sld [smem:$0x3F9E]  }
0x2a: {  	p0 =	seq.s32 s5, $0x0;
	s5 =	sld [smem:$0x3F9F]  }
0x2b: {  	s6 =	sld [smem:$0x3FA0]  }
0x2c: {  	s7 =	sld [smem:$0x3FA1]  }
0x2d: {  	s3 =	simm.s32 $0x108;
	s8 =	sld [smem:$0x3FA2]  }
0x2e: {  	s3 =	simm.s32 @!p0 $0x1082;
	s9 =	sld [smem:$0x3FA3]  }
0x2f: {  	lr =	sadd.s32 s0, s3;
	s0 =	sld [smem:$0x3F9A]  }
0x30: {  	s3 =	sld [smem:$0x3F9D]  }
0x31: {  	[smem:$0x3FA6] =	sst s10  }
0x32: {  	s10 =	sld [smem:$0x3FA4];
	_ =	sdelay $0x3  }
0x33: {  	p0 =	seq.s32 s10, $0x1;
	s10 =	sld [smem:$0x3FA6];
	_ =	sdelay $0x3  }
0x34: {  	[smem:$0x3FA6] =	sst s10  }
0x35: {  	s10 =	sld [smem:$0x3FA5];
	_ =	sdelay $0x3  }
0x36: {  	p1 =	seq.s32 s10, $0x1;
	s10 =	sld [smem:$0x3FA6];
	_ =	sdelay $0x3  }
0x37: {  	[smem:$0x3FA6] =	sst s10  }
0x38: {  	s10 =	sld [smem:$0x3FA7]  }
0x39: {  	_ = 	snop;
	(pc) =	sbr.ind lr, $3  }
0x3a: {  	_ = 	snop  }
0x3b: {  	_ = 	snop  }
0x3c: {  	p2 =	seq.s32 s10, $0x1;
	s10 =	sld [smem:$0x3FA6]  }
0x3d: {  	_ =	shalt  }
0x3e: {  	_ =	shalt  }
0x3f: {  	_ =	shalt  }
0x40: {  	_ =	shalt  }
0x41: {  	_ =	shalt  }
0x42: {  	_ =	shalt  }
0x43: {  	_ =	shalt  }
0x44: {  	_ =	shalt  }
0x45: {  	_ =	shalt  }
0x46: {  	_ =	shalt  }
0x47: {  	_ =	shalt  }
0x48: {  	_ =	shalt  }
0x49: {  	_ =	shalt  }
0x4a: {  	_ =	shalt  }
0x4b: {  	_ =	shalt  }
0x4c: {  	_ =	shalt  }
0x4d: {  	_ =	shalt  }
0x4e: {  	_ =	shalt  }
0x4f: {  	_ =	shalt  }
0x50: {  	_ =	shalt  }
0x51: {  	_ =	shalt  }
0x52: {  	_ =	shalt  }
0x53: {  	_ =	shalt  }
0x54: {  	_ =	shalt  }
0x55: {  	_ =	shalt  }
0x56: {  	_ =	shalt  }
0x57: {  	_ =	shalt  }
0x58: {  	_ =	shalt  }
0x59: {  	_ =	shalt  }
0x5a: {  	_ =	shalt  }
0x5b: {  	_ =	shalt  }
0x5c: {  	_ =	shalt  }
0x5d: {  	_ =	shalt  }
0x5e: {  	_ =	shalt  }
0x5f: {  	_ =	shalt  }
0x60: {  	_ =	shalt  }
0x61: {  	_ =	shalt  }
0x62: {  	_ =	shalt  }
0x63: {  	_ =	shalt  }
0x64: {  	_ =	shalt  }
0x65: {  	_ =	shalt  }
0x66: {  	_ =	shalt  }
0x67: {  	_ =	shalt  }
0x68: {  	_ =	shalt  }
0x69: {  	_ =	shalt  }
0x6a: {  	_ =	shalt  }
0x6b: {  	_ =	shalt  }
0x6c: {  	_ =	shalt  }
0x6d: {  	_ =	shalt  }
0x6e: {  	_ =	shalt  }
0x6f: {  	_ =	shalt  }
0x70: {  	_ =	shalt  }
0x71: {  	_ =	shalt  }
0x72: {  	_ =	shalt  }
0x73: {  	_ =	shalt  }
0x74: {  	_ =	shalt  }
0x75: {  	_ =	shalt  }
0x76: {  	_ =	shalt  }
0x77: {  	_ =	shalt  }
0x78: {  	_ =	shalt  }
0x79: {  	_ =	shalt  }
0x7a: {  	_ =	shalt  }
0x7b: {  	_ =	shalt  }
0x7c: {  	_ =	shalt  }
0x7d: {  	_ =	shalt  }
0x7e: {  	_ =	shalt  }
0x7f: {  	_ =	shalt  }
0x80: {  	_ =	shalt  }
0x81: {  	_ =	shalt  }
0x82: {  	_ =	shalt  }
0x83: {  	_ =	shalt  }
0x84: {  	_ =	shalt  }
0x85: {  	_ =	shalt  }
0x86: {  	_ =	shalt  }
0x87: {  	_ =	shalt  }
.Lfunc_end0:
.L_simem_size_0:
called_computation_lowered:
.L_overlay_start_0:
0x88: {  	s2 =	sld [smem:$0x3FD9]  }
0x89: {  	s3 =	sld [smem:$0x3FFE];
	_ =	sdelay $0x1  }
0x8a: {  	s1 =	srdreg.scid  }
0x8b: {  	s0 =	sand.u32 $0x1, s1  }
0x8c: {  	s16 =	sshll.u32 s0, $0xA;
	s2 =	sadd.s32 s3, s2  }
0x8d: {  	s2 =	sadd.s32 s2, s16  }
0x8e: {  	[smem:$0x3FB2] =	sst s2  }
0x8f: {  	_ = 	snop  }
0x90: {  	(tm) =	ssettm $0x1  }
0x91: {  	s17 =	sld [smem:$0x3FFB];
	_ =	sdelay $0x3  }
0x92: {  	_ =	strace s17  }
0x93: {  	s2 =	sld [smem:$0x3FFC];
	_ =	sdelay $0x3  }
0x94: {  	_ =	strace s2  }
0x95: {  	s2 =	sld [smem:$0x3FFD];
	_ =	sdelay $0x3  }
0x96: {  	_ =	strace s2  }
0x97: {  	_ =	strace $0x8FFFFFFF  }
0x98: {  	s18 =	sld [smem:$0x3FDB];
	_ =	sdelay $0x1  }
0x99: {  	s19 =	simm.s32 $_scs_section_size  }
0x9a: {  	s4 =	simm.s32 $_size__tile_overlayer_lowered;
	s5 =	simm.s32 $_tile_overlayer_lowered  }
0x9b: {  	s22 =	simm.s32 $0x1BFF;
	s21 =	sshll.u32 s5, $0x1;
	s2 =	sadd.s32 s19, s18  }
0x9c: {  	s6 =	simm.s32 $0x0;
	s20 =	sshll.u32 s4, $0x1;
	s4 =	sadd.s32 s21, s2  }
0x9d: {  	[timem:s6], [sflag:s22] =	dma.local [hbm:s4], s20  }
0x9e: {  	_ =	swait.ge [sflag:s22], s20  }
0x9f: {  	s3 =	ssub.s32 $0x0, s20;
	[sflag:s22] =	ssyncset.done $0x0  }
0xa0: {  	[sflag:s22] =	ssyncadd.s32 s3;
	_ =	sdelay $0x1  }
0xa1: {  	s23 =	simm.s32 $0x1B8B  }
0xa2: {  	_ =	swait.ge [sflag:s23], $0x1  }
0xa3: {  	[sflag:s23] =	ssyncset.done $0x0  }
0xa4: {  	s25 =	simm.s32 $0x1B8E;
	s24 =	sld [smem:$0x3FFE];
	[sflag:s23] =	ssyncadd.s32 $0xFFFFFFFF  }
0xa5: {  	s26 =	simm.s32 $execute0_lowered;
	[smem:$0x3FD2] =	sst s25  }
0xa6: {  	s4 =	sshll.u32 s26, $0x1;
	_ =	strace $0x80000046;
	[dreg:$0x1] =	wrdreg $0xFFFFFFFF  }
0xa7: {  	s28 =	simm.s32 $_size_execute0_lowered;
	s2 =	sadd.s32 s2, s4;
	[dreg:$0x0] =	wrdreg $0x0  }
0xa8: {  	s4 =	sshll.u32 s28, $0x1;
	[dreg:$0x2] =	wrdreg s2  }
0xa9: {  	[dreg:$0x3] =	wrdreg s4  }
0xaa: {  	[dreg:$0x4] =	wrdreg $0xC0  }
0xab: {  	_ =	task [dreg:s6], $0x5FFFF  }
0xac: {  	[dreg:$0x1] =	wrdreg $0xFFFFFFFF  }
0xad: {  	[dreg:$0x0] =	wrdreg $0x60  }
0xae: {  	[dreg:$0x2] =	wrdreg s24  }
0xaf: {  	[dreg:$0x3] =	wrdreg $0x90000  }
0xb0: {  	[dreg:$0x4] =	wrdreg $0x9  }
0xb1: {  	_ =	task.clear_ibuf [dreg:s6], $0x5FFFF;
	_ =	strace $0x90000046  }
0xb2: {  	s29 =	simm.s32 $0x9;
	_ =	strace $0x80000048  }
0xb3: {  	_ =	swait.ge [sflag:s29], $0x1  }
0xb4: {  	[sflag:s29] =	ssyncadd.s32 $0xFFFFFFFF  }
0xb5: {  	_ =	strace $0x90000048  }
0xb6: {  	_ =	sfence  }
0xb7: {  	s30 =	sld [smem:$0x0];
	_ =	sdelay $0x2  }
0xb8: {  	s31 =	sshll.u32 s1, $0xD;
	s1 =	sshrl.u32 s1, $0x2  }
0xb9: {  	s3 =	sand.u32 $0x4000, s31;
	s1 =	sadd.s32 s1, s30  }
0xba: {  	s0 =	sor.u32 s3, s0;
	s1 =	sshll.u32 s1, $0x11  }
0xbb: {  	s0 =	sor.u32 s1, s0  }
0xbc: {  	s0 =	sadd.s32 $0x8F2B, s0  }
0xbd: {  	[sflag:s0] =	ssyncadd.remote.s32 $0x1  }
0xbe: {  	_ =	sfence.sel $0xFFFF  }
0xbf: {  	[dreg:$0x0] =	wrdreg $0xFFFFFFFF;
	(pc) =	sbr.abs _section_cstart, $3  }
0xc0: {  	[dreg:$0x1] =	wrdreg $0xFFFFFFFF  }
0xc1: {  	_ =	task.clear_ibuf [dreg:s6], $0x2FFFF;
	_ =	strace $0x9FFFFFFF  }
0xc2: {  	(tm) =	ssettm $0x7FFFFFFF  }
0xc3: {  	_ =	shalt  }
tec
execute0_lowered:
.L_overlay_start_1:
0x0: {  	(tag) =	ssettag $0x1  }
0x1: {  	s0 =	rddreg [dreg:$0x0]  }
0x2: {  	s1 =	rddreg [dreg:$0x1];
	s2 =	simm.s32 $0x0  }
0x3: {  	s12 =	stileid.u32;
	s3 =	srdreg.scid;
	s19 =	simm.s32 $0x2  }
0x4: {  	[smem:$0x7FF] =	sst s2;
	s23 =	smul.u32 $0x500, s12;
	s4 =	sadd.s32 $0x35A00, s0  }
0x5: {  	s6 =	smul.u32 $0x2700, s12;
	s3 =	sand.u32 $0x1, s3;
	s5 =	sadd.s32 $0xE800, s0  }
0x6: {  	s8 =	smul.u32 $0x4E000, s12;
	p1 =	seq.s32 s12, $0x0;
	s11 =	sadd.s32 $0x138000, s1  }
0x7: {  	s29 =	sadd.s32 $0x5CA00, s0;
	s30 =	sadd.s32 $0x35800, s0;
	s16 =	sadd.s32 $0x83C00, s0  }
0x8: {  	s17 =	sadd.s32 $0xAAE00, s0;
	_ =	strace $0x80000047;
	s7 =	ssub.s32 $0x2, s3  }
0x9: {  	p0 =	seq.s32 s3, $0x1;
	s28 =	sor.u32 s12, s3;
	[dreg:$0x7] =	wrdreg s29  }
0xa: {  	[dreg:$0x8] =	wrdreg s30;
	p2 =	sne.s32 s3, $0x0;
	s2 =	sadd.s32 s23, s0  }
0xb: {  	s9 =	sadd.s32 s6, s0;
	s10 =	sshrl.u32 s7, $0x1;
	s8 =	sshrl.u32 s8, $0x2  }
0xc: {  	s25 =	sadd.s32 s4, s6;
	s26 =	sadd.s32 s5, s6;
	p1 =	por !p1, !p0  }
0xd: {  	s0 =	sshll.u32 @!p2 s12, $0x6;
	p3 =	sne.s32 s28, $0x0;
	s23 =	simm.s32 $0x80  }
0xe: {  	s7 =	ssub.s32 s7, s10;
	s24 =	sadd.s32 $0x4800, s2;
	[dreg:$0x5] =	wrdreg s25  }
0xf: {  	s2 =	sadd.s32 $0x9800, s2;
	s8 =	sadd.s32 s8, s1;
	[dreg:$0x6] =	wrdreg s26  }
0x10: {  	p1 =	por !p1, !p1;
	s31 =	sadd.s32 $0x5CC00, s9;
	[dreg:$0x3] =	wrdreg s24  }
0x11: {  	s15 =	sadd.s32 $0x83E00, s9;
	s21 =	sor.u32 @!p2 $0x1C02, s0;
	[dreg:$0x4] =	wrdreg s2  }
0x12: {  	s25 =	simm.s32 $0x0;
	[dreg:$0x9] =	wrdreg s31;
	s18 =	smax.u32 s7, $0x1  }
0x13: {  	s14 =	smov.u32 s8;
	s22 =	sshrl.u32 @!p2 s8, $0x3;
	s24 =	simm.s32 $0x5000  }
.LBB2_1:
0x14: {  	s0 =	simm.s32 $0x0;
	s2 =	rddreg [dreg:$0x3]  }
0x15: {  	[tilespmem:s0], [sflag:$0x2] =	stream.linear.gather [hbm4b:s2+s0], $0x2780, $0x38;
	[tilespmem:$0x1C8C0] =	vst v63  }
0x16: {  	_ =	swait.ge [sflag:s19], $0x2780  }
0x17: {  	[sflag:s19] =	ssyncset.done $0x0  }
0x18: {  	s3 =	simm.s32 $0x2800;
	s12 =	rddreg [dreg:$0x4];
	[sflag:s19] =	ssyncadd.s32 $0xFFFFD880  }
0x19: {  	[tilespmem:s3], [sflag:$0x2] =	stream.linear.gather [hbm4b:s12+s0], $0x2780, $0x38;
	[tilespmem:$0x1C8C0] =	vst v63  }
0x1a: {  	_ =	swait.ge [sflag:s19], $0x2780  }
0x1b: {  	[sflag:s19] =	ssyncset.done $0x0  }
0x1c: {  	s0 =	rddreg [dreg:$0x5];
	[sflag:s19] =	ssyncadd.s32 $0xFFFFD880  }
0x1d: {  	[spmem:s22], [sflag:s21] =	dma.local @!p2 [hbm:s0], $0x2700  }
0x1e: {  	s0 =	simm.s32 @!p2 $0x2  }
0x1f: {  	s3 =	stileid.u32;
	_ =	swait.ge @!p2 [sflag:s0], $0x2700  }
0x20: {  	s28 =	sshrl.u32 @p0 s14, $0x3;
	s2 =	sshll.u32 @p0 s3, $0x6;
	[sflag:s0] =	ssyncset.done @!p2 $0x0  }
0x21: {  	s26 =	sor.u32 @p0 $0x1C02, s2;
	[sflag:s0] =	ssyncadd.s32 @!p2 $0xFFFFD900;
	s0 =	rddreg [dreg:$0x6]  }
0x22: {  	[spmem:s28], [sflag:s26] =	dma.local @p0 [hbm:s0], $0x2700  }
0x23: {  	s0 =	simm.s32 @p0 $0x2  }
0x24: {  	_ =	swait.ge @p0 [sflag:s0], $0x2700  }
0x25: {  	s30 =	sshrl.u32 @!p3 s11, $0x3;
	s2 =	sshll.u32 @!p3 s3, $0x6;
	[sflag:s0] =	ssyncset.done @p0 $0x0  }
0x26: {  	s29 =	sor.u32 @!p3 $0x1C02, s2;
	[sflag:s0] =	ssyncadd.s32 @p0 $0xFFFFD900;
	s0 =	rddreg [dreg:$0x7]  }
0x27: {  	[spmem:s30], [sflag:s29] =	dma.local @!p3 [hbm:s0], $0x100  }
0x28: {  	s0 =	simm.s32 @!p3 $0x2  }
0x29: {  	_ =	swait.ge @!p3 [sflag:s0], $0x100  }
0x2a: {  	s31 =	sshrl.u32 @p1 s11, $0x3;
	[sflag:s0] =	ssyncset.done @!p3 $0x0  }
0x2b: {  	s2 =	rddreg [dreg:$0x8];
	[sflag:s0] =	ssyncadd.s32 @!p3 $0xFFFFFF00;
	s0 =	simm.s32 @p1 $0x1C02  }
0x2c: {  	[spmem:s31], [sflag:s0] =	dma.local @p1 [hbm:s2], $0x100  }
0x2d: {  	s0 =	simm.s32 @p1 $0x2  }
0x2e: {  	_ =	swait.ge @p1 [sflag:s0], $0x100  }
0x2f: {  	[sflag:s0] =	ssyncset.done @p1 $0x0  }
0x30: {  	s20 =	simm.s32 @!p2 $0x80;
	s3 =	simm.s32 @!p2 $0x5000;
	[sflag:s0] =	ssyncadd.s32 @p1 $0xFFFFFF00  }
0x31: {  	s2 =	simm.s32 @!p2 $0x0;
	s0 =	simm.s32 @!p2 $0x1;
	[bflag:$0x0] =	sbarrier.arrive $0xFFFF  }
0x32: {  	[tilespmem:s3], [sflag:$0x1] =	stream.indirect.gather @!p2 [hbm4b:s4+s20], $0x80, s2, s20, $0xb8;
	[tilespmem:$0x1C8C0] =	vst v63  }
0x33: {  	_ =	swait.ge @!p2 [sflag:s0], $0x4000  }
0x34: {  	s7 =	simm.s32 @p0 $0x1;
	s6 =	simm.s32 @p0 $0x0;
	[sflag:s0] =	ssyncset.done @!p2 $0x0  }
0x35: {  	s9 =	simm.s32 @p0 $0x80;
	s2 =	simm.s32 @p0 $0x5000;
	[sflag:s0] =	ssyncadd.s32 @!p2 $0xFFFFC000  }
0x36: {  	[tilespmem:s2], [sflag:$0x1] =	stream.indirect.gather @p0 [hbm4b:s5+s9], $0x80, s6, s9, $0xb8;
	[tilespmem:$0x1C8C0] =	vst v63  }
0x37: {  	_ =	swait.ge @p0 [sflag:s7], $0x4000  }
0x38: {  	[sflag:s7] =	ssyncset.done @p0 $0x0  }
0x39: {  	s13 =	simm.s32 $0x2800;
	[sflag:s7] =	ssyncadd.s32 @p0 $0xFFFFC000  }
0x3a: {  	[spmem:s1] =	stream.indirect.scatter.add.f32 [tilespmem:s24], [sflag:$0x2], $0x80, s13, s23, $0xb8;
	[tilespmem:$0x1C8C0] =	vst v63  }
0x3b: {  	s10 =	simm.s32 @!p2 $0x80;
	_ =	swait.ge [sflag:s19], $0x4000  }
0x3c: {  	s8 =	simm.s32 $0x400;
	s6 =	simm.s32 $0x200;
	[sflag:s19] =	ssyncset.done $0x0  }
.LBB2_2:
0x3d: {  	[sflag:s19] =	ssyncadd.s32 $0xFFFFC000;
	s12 =	smov.u32 s8  }
0x3e: {  	[tilespmem:s3], [sflag:$0x1] =	stream.indirect.gather @!p2 [hbm4b:s4+s20], $0x80, s10, s20, $0xb8;
	[tilespmem:$0x1C8C0] =	vst v63  }
0x3f: {  	s8 =	sadd.s32 $0x200, s8;
	s10 =	sshra.s32 @!p2 s12, $0x2;
	_ =	swait.ge @!p2 [sflag:s0], $0x4000  }
0x40: {  	[sflag:s0] =	ssyncset.done @!p2 $0x0  }
0x41: {  	s13 =	sshra.s32 @p0 s6, $0x2;
	[sflag:s0] =	ssyncadd.s32 @!p2 $0xFFFFC000  }
0x42: {  	[tilespmem:s2], [sflag:$0x1] =	stream.indirect.gather @p0 [hbm4b:s5+s9], $0x80, s13, s9, $0xb8;
	[tilespmem:$0x1C8C0] =	vst v63  }
0x43: {  	p4 =	sne.s32 s8, $0x9E00;
	_ =	swait.ge @p0 [sflag:s7], $0x4000  }
.Ltmp0:
0x44: {  	s6 =	sshra.s32 s6, $0x2;
	[sflag:s7] =	ssyncset.done @p0 $0x0;
	(pc) =	sbr.rel @p4 .LBB2_2-.Ltmp0, $4  }
0x45: {  	s13 =	sadd.s32 $0x2800, s6;
	s6 =	smov.u32 s12;
	[sflag:s7] =	ssyncadd.s32 @p0 $0xFFFFC000  }
0x46: {  	[spmem:s1] =	stream.indirect.scatter.add.f32 [tilespmem:s24], [sflag:$0x2], $0x80, s13, s23, $0xb8;
	[tilespmem:$0x1C8C0] =	vst v63  }
0x47: {  	_ =	swait.ge [sflag:s19], $0x4000  }
0x48: {  	[sflag:s19] =	ssyncset.done $0x0  }
0x49: {  	s2 =	simm.s32 @!p2 $0x80;
	s3 =	simm.s32 @!p2 $0x5000;
	[sflag:s19] =	ssyncadd.s32 $0xFFFFC000  }
0x4a: {  	[tilespmem:s3], [sflag:$0x1] =	stream.indirect.gather @!p2 [hbm4b:s4+s2], $0x80, s10, s2, $0xb8;
	[tilespmem:$0x1C8C0] =	vst v63  }
0x4b: {  	_ =	swait.ge @!p2 [sflag:s0], $0x4000  }
0x4c: {  	s7 =	simm.s32 @p0 $0x80;
	s2 =	simm.s32 @p0 $0x5000;
	[sflag:s0] =	ssyncset.done @!p2 $0x0  }
0x4d: {  	s3 =	simm.s32 @p0 $0x1;
	[sflag:s0] =	ssyncadd.s32 @!p2 $0xFFFFC000;
	s0 =	sshra.s32 @p0 s6, $0x2  }
0x4e: {  	[tilespmem:s2], [sflag:$0x1] =	stream.indirect.gather @p0 [hbm4b:s5+s7], $0x80, s0, s7, $0xb8;
	[tilespmem:$0x1C8C0] =	vst v63  }
0x4f: {  	_ =	swait.ge @p0 [sflag:s3], $0x4000  }
0x50: {  	s20 =	sshra.s32 s6, $0x2;
	[sflag:s3] =	ssyncset.done @p0 $0x0  }
0x51: {  	s0 =	sadd.s32 $0x2800, s20;
	[sflag:s3] =	ssyncadd.s32 @p0 $0xFFFFC000  }
0x52: {  	[spmem:s1] =	stream.indirect.scatter.add.f32 [tilespmem:s24], [sflag:$0x2], $0x80, s0, s23, $0xb8;
	[tilespmem:$0x1C8C0] =	vst v63  }
0x53: {  	_ =	swait.ge [sflag:s19], $0x4000  }
0x54: {  	[sflag:s19] =	ssyncset.done $0x0  }
0x55: {  	[sflag:s19] =	ssyncadd.s32 $0xFFFFC000  }
0x56: {  	[bflag:$0x0] =	sbarrier.arrive $0xFFFF  }
0x57: {  	s0 =	rddreg [dreg:$0x9]  }
0x58: {  	[hbm:s0], [sflag:s21] =	dma.local @!p2 [spmem:s22], $0x2700  }
0x59: {  	s0 =	simm.s32 @!p2 $0x2  }
0x5a: {  	_ =	swait.ge @!p2 [sflag:s0], $0x2700  }
0x5b: {  	[sflag:s0] =	ssyncset.done @!p2 $0x0  }
0x5c: {  	[sflag:s0] =	ssyncadd.s32 @!p2 $0xFFFFD900;
	s0 =	simm.s32 @p0 $0x2  }
0x5d: {  	[hbm:s15], [sflag:s26] =	dma.local @p0 [spmem:s28], $0x2700  }
0x5e: {  	_ =	swait.ge @p0 [sflag:s0], $0x2700  }
0x5f: {  	[sflag:s0] =	ssyncset.done @p0 $0x0  }
0x60: {  	[sflag:s0] =	ssyncadd.s32 @p0 $0xFFFFD900;
	s0 =	simm.s32 @!p3 $0x2  }
0x61: {  	[hbm:s16], [sflag:s29] =	dma.local @!p3 [spmem:s30], $0x100  }
0x62: {  	_ =	swait.ge @!p3 [sflag:s0], $0x100  }
0x63: {  	s25 =	sadd.s32 $0x1, s25;
	[sflag:s0] =	ssyncset.done @!p3 $0x0  }
0x64: {  	p4 =	sne.s32 s25, s18;
	[sflag:s0] =	ssyncadd.s32 @!p3 $0xFFFFFF00;
	s0 =	simm.s32 @p1 $0x1C02  }
0x65: {  	[hbm:s17], [sflag:s0] =	dma.local @p1 [spmem:s31], $0x100  }
.Ltmp1:
0x66: {  	_ = 	snop;
	(pc) =	sbr.rel @p4 .LBB2_1-.Ltmp1, $4  }
0x67: {  	s0 =	simm.s32 @p1 $0x2  }
0x68: {  	_ =	swait.ge @p1 [sflag:s0], $0x100  }
0x69: {  	[sflag:s0] =	ssyncset.done @p1 $0x0  }
0x6a: {  	[sflag:s0] =	ssyncadd.s32 @p1 $0xFFFFFF00  }
0x6b: {  	_ =	sfence.sel $0x180000  }
0x6c: {  	[bflag:$0x0] =	sbarrier.arrive $0xFFFF  }
0x6d: {  	_ =	strace $0x90000047  }
0x6e: {  	s0 =	stileid.u32;
	[bflag:$0x2] =	sbarrier.arrive $0xFFFF  }
0x6f: {  	p0 =	sne.s32 s0, $0x0;
	s0 =	rddreg [dreg:$0x2]  }
0x70: {  	s0 =	sadd.s32 @!p0 $0x100000, s0  }
0x71: {  	[sflag:s0] =	ssyncadd.tile.s32 @!p0 $0x1;
	_ =	shalt  }
.Lfunc_end2:
_tile_overlayer_lowered:
.L_overlay_start_2:
0x72: {  	(tag) =	ssettag $0x2  }
0x73: {  	s0 =	rddreg [dreg:$0x0];
	s2 =	stileid.u32  }
0x74: {  	s1 =	rddreg [dreg:$0x1];
	p0 =	sne.s32 s2, $0x0  }
0x75: {  	s3 =	rddreg [dreg:$0x2];
	[bflag:$0x3] =	sbarrier.arrive $0xFFFF;
	s2 =	simm.s32 @!p0 $0x1C02  }
0x76: {  	[timem:s3], [sflag:s2] =	dma.local @!p0 [hbm:s0], s1  }
0x77: {  	s0 =	simm.s32 @!p0 $0x2  }
0x78: {  	_ =	swait.ge @!p0 [sflag:s0], s1  }
0x79: {  	s1 =	ssub.s32 @!p0 $0x0, s1;
	[sflag:s0] =	ssyncset.done @!p0 $0x0  }
0x7a: {  	[sflag:s0] =	ssyncadd.s32 @!p0 s1  }
0x7b: {  	[bflag:$0x3] =	sbarrier.arrive $0xFFFF  }
0x7c: {  	_ =	shalt  }

// kernel: kernel.9.cloned.1.call-start
scs
__scs_entry_jumppad:
0x0: {  	(pc) =	sbr.rel $0x88, $3  }
0x1: {  	(tag) =	ssettag $0x0;
	lr =	simm.s32 $0x1  }
0x2: {  	[smem:$0x3F8B] =	sst lr;
	_ =	strace $0xD0000000  }
0x3: {  	_ = 	snop  }
0x4: {  	_ = 	snop  }
0x5: {  	_ = 	snop  }
0x6: {  	_ = 	snop  }
0x7: {  	_ = 	snop  }
__scs_overlays_trampoline_lowered:
0x8: {  	[smem:$0x3F9A] =	sst s0  }
0x9: {  	[smem:$0x3F9B] =	sst s1  }
0xa: {  	[smem:$0x3F9C] =	sst s2  }
0xb: {  	[smem:$0x3F9D] =	sst s3  }
0xc: {  	[smem:$0x3F9E] =	sst s4  }
0xd: {  	[smem:$0x3F9F] =	sst s5  }
0xe: {  	[smem:$0x3FA0] =	sst s6  }
0xf: {  	[smem:$0x3FA1] =	sst s7  }
0x10: {  	[smem:$0x3FA2] =	sst s8  }
0x11: {  	[smem:$0x3FA3] =	sst s9;
	s0 =	simm.s32 @!p0 $0x0  }
0x12: {  	s1 =	sld [smem:$0x3F89];
	s0 =	simm.s32 @p0 $0x1  }
0x13: {  	[smem:$0x3FA4] =	sst s0;
	s0 =	simm.s32 @!p1 $0x0  }
0x14: {  	s2 =	sld [smem:$0x3F88];
	s0 =	simm.s32 @p1 $0x1  }
0x15: {  	[smem:$0x3FA5] =	sst s0;
	s0 =	simm.s32 @!p2 $0x0  }
0x16: {  	s3 =	sld [smem:$0x3FDB];
	s0 =	simm.s32 @p2 $0x1  }
0x17: {  	s4 =	simm.s32 $0x1BF5;
	[smem:$0x3FA7] =	sst s0  }
0x18: {  	s0 =	sld [smem:$0x3F8A];
	_ =	swait.ge [sflag:s4], $0x0  }
0x19: {  	s7 =	sld [smem:$0x3F8B]  }
0x1a: {  	s8 =	sadd.s32 $0xFFFFE003, lr  }
0x1b: {  	s9 =	sadd.s32 $0xFFFFFEF7, lr;
	s5 =	simm.s32 $0xFFFFFFFF;
	p2 =	slt.u32 s8, $0xFFFFF086  }
0x1c: {  	p1 =	slt.u32 s9, $0xF7A;
	s5 =	simm.s32 @!p2 $0x0  }
0x1d: {  	s5 =	simm.s32 @p1 $0x1;
	p0 =	seq.s32 s7, s2  }
0x1e: {  	s7 =	smul.u32 @!p0 $0xF7A, s2;
	p2 =	seq.s32 @!p0 s5, $0x0  }
0x1f: {  	s9 =	smul.u32 $0xF7A, s1;
	s8 =	simm.s32 @!p0 $0x1BF5;
	p2 =	por !p2, p0  }
0x20: {  	[sflag:s8] =	ssyncset.s32 @!p0 $0xFFFFF086;
	s6 =	sadd.s32 @!p0 s3, s7;
	s7 =	simm.s32 @!p0 $0x108  }
0x21: {  	s3 =	sadd.s32 s3, s9;
	s6 =	sadd.s32 @!p0 $0x88, s6;
	s7 =	simm.s32 @p2 $0x1082  }
0x22: {  	[simem:s7], [sflag:s8] =	dma.local @!p0 [hbm:s6], $0xF7A  }
0x23: {  	s9 =	sor.u32 $0xD0000000, s2;
	s6 =	simm.s32 $0x108;
	_ =	swait.ge @!p0 [sflag:s8], $0x0  }
0x24: {  	s3 =	sadd.s32 $0x88, s3;
	s6 =	simm.s32 @!p1 $0x1082;
	[sflag:s4] =	ssyncset.s32 $0xFFFFF086  }
0x25: {  	[simem:s6], [sflag:s4] =	dma.local [hbm:s3], $0xF7A  }
0x26: {  	[smem:$0x3F8B] =	sst s1;
	(tag) =	ssettag s2;
	_ =	strace s9  }
0x27: {  	s1 =	sld [smem:$0x3F9B]  }
0x28: {  	s2 =	sld [smem:$0x3F9C]  }
0x29: {  	s4 =	sld [smem:$0x3F9E]  }
0x2a: {  	p0 =	seq.s32 s5, $0x0;
	s5 =	sld [smem:$0x3F9F]  }
0x2b: {  	s6 =	sld [smem:$0x3FA0]  }
0x2c: {  	s7 =	sld [smem:$0x3FA1]  }
0x2d: {  	s3 =	simm.s32 $0x108;
	s8 =	sld [smem:$0x3FA2]  }
0x2e: {  	s3 =	simm.s32 @!p0 $0x1082;
	s9 =	sld [smem:$0x3FA3]  }
0x2f: {  	lr =	sadd.s32 s0, s3;
	s0 =	sld [smem:$0x3F9A]  }
0x30: {  	s3 =	sld [smem:$0x3F9D]  }
0x31: {  	[smem:$0x3FA6] =	sst s10  }
0x32: {  	s10 =	sld [smem:$0x3FA4];
	_ =	sdelay $0x3  }
0x33: {  	p0 =	seq.s32 s10, $0x1;
	s10 =	sld [smem:$0x3FA6];
	_ =	sdelay $0x3  }
0x34: {  	[smem:$0x3FA6] =	sst s10  }
0x35: {  	s10 =	sld [smem:$0x3FA5];
	_ =	sdelay $0x3  }
0x36: {  	p1 =	seq.s32 s10, $0x1;
	s10 =	sld [smem:$0x3FA6];
	_ =	sdelay $0x3  }
0x37: {  	[smem:$0x3FA6] =	sst s10  }
0x38: {  	s10 =	sld [smem:$0x3FA7]  }
0x39: {  	_ = 	snop;
	(pc) =	sbr.ind lr, $3  }
0x3a: {  	_ = 	snop  }
0x3b: {  	_ = 	snop  }
0x3c: {  	p2 =	seq.s32 s10, $0x1;
	s10 =	sld [smem:$0x3FA6]  }
0x3d: {  	_ =	shalt  }
0x3e: {  	_ =	shalt  }
0x3f: {  	_ =	shalt  }
0x40: {  	_ =	shalt  }
0x41: {  	_ =	shalt  }
0x42: {  	_ =	shalt  }
0x43: {  	_ =	shalt  }
0x44: {  	_ =	shalt  }
0x45: {  	_ =	shalt  }
0x46: {  	_ =	shalt  }
0x47: {  	_ =	shalt  }
0x48: {  	_ =	shalt  }
0x49: {  	_ =	shalt  }
0x4a: {  	_ =	shalt  }
0x4b: {  	_ =	shalt  }
0x4c: {  	_ =	shalt  }
0x4d: {  	_ =	shalt  }
0x4e: {  	_ =	shalt  }
0x4f: {  	_ =	shalt  }
0x50: {  	_ =	shalt  }
0x51: {  	_ =	shalt  }
0x52: {  	_ =	shalt  }
0x53: {  	_ =	shalt  }
0x54: {  	_ =	shalt  }
0x55: {  	_ =	shalt  }
0x56: {  	_ =	shalt  }
0x57: {  	_ =	shalt  }
0x58: {  	_ =	shalt  }
0x59: {  	_ =	shalt  }
0x5a: {  	_ =	shalt  }
0x5b: {  	_ =	shalt  }
0x5c: {  	_ =	shalt  }
0x5d: {  	_ =	shalt  }
0x5e: {  	_ =	shalt  }
0x5f: {  	_ =	shalt  }
0x60: {  	_ =	shalt  }
0x61: {  	_ =	shalt  }
0x62: {  	_ =	shalt  }
0x63: {  	_ =	shalt  }
0x64: {  	_ =	shalt  }
0x65: {  	_ =	shalt  }
0x66: {  	_ =	shalt  }
0x67: {  	_ =	shalt  }
0x68: {  	_ =	shalt  }
0x69: {  	_ =	shalt  }
0x6a: {  	_ =	shalt  }
0x6b: {  	_ =	shalt  }
0x6c: {  	_ =	shalt  }
0x6d: {  	_ =	shalt  }
0x6e: {  	_ =	shalt  }
0x6f: {  	_ =	shalt  }
0x70: {  	_ =	shalt  }
0x71: {  	_ =	shalt  }
0x72: {  	_ =	shalt  }
0x73: {  	_ =	shalt  }
0x74: {  	_ =	shalt  }
0x75: {  	_ =	shalt  }
0x76: {  	_ =	shalt  }
0x77: {  	_ =	shalt  }
0x78: {  	_ =	shalt  }
0x79: {  	_ =	shalt  }
0x7a: {  	_ =	shalt  }
0x7b: {  	_ =	shalt  }
0x7c: {  	_ =	shalt  }
0x7d: {  	_ =	shalt  }
0x7e: {  	_ =	shalt  }
0x7f: {  	_ =	shalt  }
0x80: {  	_ =	shalt  }
0x81: {  	_ =	shalt  }
0x82: {  	_ =	shalt  }
0x83: {  	_ =	shalt  }
0x84: {  	_ =	shalt  }
0x85: {  	_ =	shalt  }
0x86: {  	_ =	shalt  }
0x87: {  	_ =	shalt  }
.Lfunc_end0:
.L_simem_size_0:
called_computation.1_lowered:
.L_overlay_start_0:
0x88: {  	s2 =	sld [smem:$0x3FD9]  }
0x89: {  	s3 =	sld [smem:$0x3FFE];
	_ =	sdelay $0x1  }
0x8a: {  	s1 =	srdreg.scid  }
0x8b: {  	s0 =	sand.u32 $0x1, s1  }
0x8c: {  	s16 =	sshll.u32 s0, $0xA;
	s2 =	sadd.s32 s3, s2  }
0x8d: {  	s2 =	sadd.s32 s2, s16  }
0x8e: {  	[smem:$0x3FB2] =	sst s2  }
0x8f: {  	_ = 	snop  }
0x90: {  	(tm) =	ssettm $0x1  }
0x91: {  	s17 =	sld [smem:$0x3FFB];
	_ =	sdelay $0x3  }
0x92: {  	_ =	strace s17  }
0x93: {  	s2 =	sld [smem:$0x3FFC];
	_ =	sdelay $0x3  }
0x94: {  	_ =	strace s2  }
0x95: {  	s2 =	sld [smem:$0x3FFD];
	_ =	sdelay $0x3  }
0x96: {  	_ =	strace s2  }
0x97: {  	_ =	strace $0x8FFFFFFF  }
0x98: {  	s18 =	sld [smem:$0x3FDB];
	_ =	sdelay $0x1  }
0x99: {  	s19 =	simm.s32 $_scs_section_size  }
0x9a: {  	s4 =	simm.s32 $_size__tile_overlayer_lowered;
	s5 =	simm.s32 $_tile_overlayer_lowered  }
0x9b: {  	s22 =	simm.s32 $0x1BFF;
	s21 =	sshll.u32 s5, $0x1;
	s2 =	sadd.s32 s19, s18  }
0x9c: {  	s6 =	simm.s32 $0x0;
	s20 =	sshll.u32 s4, $0x1;
	s4 =	sadd.s32 s21, s2  }
0x9d: {  	[timem:s6], [sflag:s22] =	dma.local [hbm:s4], s20  }
0x9e: {  	_ =	swait.ge [sflag:s22], s20  }
0x9f: {  	s3 =	ssub.s32 $0x0, s20;
	[sflag:s22] =	ssyncset.done $0x0  }
0xa0: {  	[sflag:s22] =	ssyncadd.s32 s3;
	_ =	sdelay $0x1  }
0xa1: {  	s23 =	simm.s32 $0x1B8B  }
0xa2: {  	_ =	swait.ge [sflag:s23], $0x1  }
0xa3: {  	[sflag:s23] =	ssyncset.done $0x0  }
0xa4: {  	s25 =	simm.s32 $0x1B8E;
	s24 =	sld [smem:$0x3FFE];
	[sflag:s23] =	ssyncadd.s32 $0xFFFFFFFF  }
0xa5: {  	s26 =	simm.s32 $execute0_lowered;
	[smem:$0x3FD2] =	sst s25  }
0xa6: {  	s4 =	sshll.u32 s26, $0x1;
	_ =	strace $0x80000049;
	[dreg:$0x1] =	wrdreg $0xFFFFFFFF  }
0xa7: {  	s28 =	simm.s32 $_size_execute0_lowered;
	s2 =	sadd.s32 s2, s4;
	[dreg:$0x0] =	wrdreg $0x0  }
0xa8: {  	s4 =	sshll.u32 s28, $0x1;
	[dreg:$0x2] =	wrdreg s2  }
0xa9: {  	[dreg:$0x3] =	wrdreg s4  }
0xaa: {  	[dreg:$0x4] =	wrdreg $0xC0  }
0xab: {  	_ =	task [dreg:s6], $0x5FFFF  }
0xac: {  	[dreg:$0x1] =	wrdreg $0xFFFFFFFF  }
0xad: {  	[dreg:$0x0] =	wrdreg $0x60  }
0xae: {  	[dreg:$0x2] =	wrdreg s24  }
0xaf: {  	[dreg:$0x3] =	wrdreg $0x90000  }
0xb0: {  	[dreg:$0x4] =	wrdreg $0x9  }
0xb1: {  	_ =	task.clear_ibuf [dreg:s6], $0x5FFFF;
	_ =	strace $0x90000049  }
0xb2: {  	s29 =	simm.s32 $0x9;
	_ =	strace $0x8000004B  }
0xb3: {  	_ =	swait.ge [sflag:s29], $0x1  }
0xb4: {  	[sflag:s29] =	ssyncadd.s32 $0xFFFFFFFF  }
0xb5: {  	_ =	strace $0x9000004B  }
0xb6: {  	_ =	sfence  }
0xb7: {  	s30 =	sld [smem:$0x0];
	_ =	sdelay $0x2  }
0xb8: {  	s31 =	sshll.u32 s1, $0xD;
	s1 =	sshrl.u32 s1, $0x2  }
0xb9: {  	s3 =	sand.u32 $0x4000, s31;
	s1 =	sadd.s32 s1, s30  }
0xba: {  	s0 =	sor.u32 s3, s0;
	s1 =	sshll.u32 s1, $0x11  }
0xbb: {  	s0 =	sor.u32 s1, s0  }
0xbc: {  	s0 =	sadd.s32 $0x8F2B, s0  }
0xbd: {  	[sflag:s0] =	ssyncadd.remote.s32 $0x1  }
0xbe: {  	_ =	sfence.sel $0xFFFF  }
0xbf: {  	[dreg:$0x0] =	wrdreg $0xFFFFFFFF;
	(pc) =	sbr.abs _section_cstart, $3  }
0xc0: {  	[dreg:$0x1] =	wrdreg $0xFFFFFFFF  }
0xc1: {  	_ =	task.clear_ibuf [dreg:s6], $0x2FFFF;
	_ =	strace $0x9FFFFFFF  }
0xc2: {  	(tm) =	ssettm $0x7FFFFFFF  }
0xc3: {  	_ =	shalt  }
tec
execute0_lowered:
.L_overlay_start_1:
0x0: {  	(tag) =	ssettag $0x1  }
0x1: {  	s0 =	rddreg [dreg:$0x0]  }
0x2: {  	s1 =	rddreg [dreg:$0x1];
	s2 =	simm.s32 $0x0  }
0x3: {  	s12 =	stileid.u32;
	s3 =	srdreg.scid;
	s19 =	simm.s32 $0x2  }
0x4: {  	[smem:$0x7FF] =	sst s2;
	s23 =	smul.u32 $0x500, s12;
	s4 =	sadd.s32 $0xE800, s0  }
0x5: {  	s6 =	smul.u32 $0x2700, s12;
	s3 =	sand.u32 $0x1, s3;
	s5 =	sadd.s32 $0x35A00, s0  }
0x6: {  	s8 =	smul.u32 $0x4E000, s12;
	p1 =	seq.s32 s12, $0x0;
	s11 =	sadd.s32 $0x138000, s1  }
0x7: {  	s29 =	sadd.s32 $0x35800, s0;
	s30 =	sadd.s32 $0x5CA00, s0;
	s16 =	sadd.s32 $0x83C00, s0  }
0x8: {  	s17 =	sadd.s32 $0xAAE00, s0;
	_ =	strace $0x8000004A;
	s7 =	ssub.s32 $0x2, s3  }
0x9: {  	p0 =	seq.s32 s3, $0x1;
	s28 =	sor.u32 s12, s3;
	[dreg:$0x7] =	wrdreg s29  }
0xa: {  	[dreg:$0x8] =	wrdreg s30;
	p2 =	sne.s32 s3, $0x0;
	s2 =	sadd.s32 s23, s0  }
0xb: {  	s9 =	sadd.s32 s6, s0;
	s10 =	sshrl.u32 s7, $0x1;
	s8 =	sshrl.u32 s8, $0x2  }
0xc: {  	s25 =	sadd.s32 s4, s6;
	s26 =	sadd.s32 s5, s6;
	p1 =	por !p1, !p0  }
0xd: {  	s0 =	sshll.u32 @!p2 s12, $0x6;
	p3 =	sne.s32 s28, $0x0;
	s23 =	simm.s32 $0x80  }
0xe: {  	s7 =	ssub.s32 s7, s10;
	s24 =	sadd.s32 $0x4800, s2;
	[dreg:$0x5] =	wrdreg s25  }
0xf: {  	s2 =	sadd.s32 $0x9800, s2;
	s8 =	sadd.s32 s8, s1;
	[dreg:$0x6] =	wrdreg s26  }
0x10: {  	p1 =	por !p1, !p1;
	s31 =	sadd.s32 $0x5CC00, s9;
	[dreg:$0x3] =	wrdreg s24  }
0x11: {  	s15 =	sadd.s32 $0x83E00, s9;
	s21 =	sor.u32 @!p2 $0x1C02, s0;
	[dreg:$0x4] =	wrdreg s2  }
0x12: {  	s25 =	simm.s32 $0x0;
	[dreg:$0x9] =	wrdreg s31;
	s18 =	smax.u32 s7, $0x1  }
0x13: {  	s14 =	smov.u32 s8;
	s22 =	sshrl.u32 @!p2 s8, $0x3;
	s24 =	simm.s32 $0x5000  }
.LBB2_1:
0x14: {  	s0 =	simm.s32 $0x0;
	s2 =	rddreg [dreg:$0x3]  }
0x15: {  	[tilespmem:s0], [sflag:$0x2] =	stream.linear.gather [hbm4b:s2+s0], $0x2780, $0x38;
	[tilespmem:$0x1C8C0] =	vst v63  }
0x16: {  	_ =	swait.ge [sflag:s19], $0x2780  }
0x17: {  	[sflag:s19] =	ssyncset.done $0x0  }
0x18: {  	s3 =	simm.s32 $0x2800;
	s12 =	rddreg [dreg:$0x4];
	[sflag:s19] =	ssyncadd.s32 $0xFFFFD880  }
0x19: {  	[tilespmem:s3], [sflag:$0x2] =	stream.linear.gather [hbm4b:s12+s0], $0x2780, $0x38;
	[tilespmem:$0x1C8C0] =	vst v63  }
0x1a: {  	_ =	swait.ge [sflag:s19], $0x2780  }
0x1b: {  	[sflag:s19] =	ssyncset.done $0x0  }
0x1c: {  	s0 =	rddreg [dreg:$0x5];
	[sflag:s19] =	ssyncadd.s32 $0xFFFFD880  }
0x1d: {  	[spmem:s22], [sflag:s21] =	dma.local @!p2 [hbm:s0], $0x2700  }
0x1e: {  	s0 =	simm.s32 @!p2 $0x2  }
0x1f: {  	s3 =	stileid.u32;
	_ =	swait.ge @!p2 [sflag:s0], $0x2700  }
0x20: {  	s28 =	sshrl.u32 @p0 s14, $0x3;
	s2 =	sshll.u32 @p0 s3, $0x6;
	[sflag:s0] =	ssyncset.done @!p2 $0x0  }
0x21: {  	s26 =	sor.u32 @p0 $0x1C02, s2;
	[sflag:s0] =	ssyncadd.s32 @!p2 $0xFFFFD900;
	s0 =	rddreg [dreg:$0x6]  }
0x22: {  	[spmem:s28], [sflag:s26] =	dma.local @p0 [hbm:s0], $0x2700  }
0x23: {  	s0 =	simm.s32 @p0 $0x2  }
0x24: {  	_ =	swait.ge @p0 [sflag:s0], $0x2700  }
0x25: {  	s30 =	sshrl.u32 @!p3 s11, $0x3;
	s2 =	sshll.u32 @!p3 s3, $0x6;
	[sflag:s0] =	ssyncset.done @p0 $0x0  }
0x26: {  	s29 =	sor.u32 @!p3 $0x1C02, s2;
	[sflag:s0] =	ssyncadd.s32 @p0 $0xFFFFD900;
	s0 =	rddreg [dreg:$0x7]  }
0x27: {  	[spmem:s30], [sflag:s29] =	dma.local @!p3 [hbm:s0], $0x100  }
0x28: {  	s0 =	simm.s32 @!p3 $0x2  }
0x29: {  	_ =	swait.ge @!p3 [sflag:s0], $0x100  }
0x2a: {  	s31 =	sshrl.u32 @p1 s11, $0x3;
	[sflag:s0] =	ssyncset.done @!p3 $0x0  }
0x2b: {  	s2 =	rddreg [dreg:$0x8];
	[sflag:s0] =	ssyncadd.s32 @!p3 $0xFFFFFF00;
	s0 =	simm.s32 @p1 $0x1C02  }
0x2c: {  	[spmem:s31], [sflag:s0] =	dma.local @p1 [hbm:s2], $0x100  }
0x2d: {  	s0 =	simm.s32 @p1 $0x2  }
0x2e: {  	_ =	swait.ge @p1 [sflag:s0], $0x100  }
0x2f: {  	[sflag:s0] =	ssyncset.done @p1 $0x0  }
0x30: {  	s20 =	simm.s32 @!p2 $0x80;
	s3 =	simm.s32 @!p2 $0x5000;
	[sflag:s0] =	ssyncadd.s32 @p1 $0xFFFFFF00  }
0x31: {  	s2 =	simm.s32 @!p2 $0x0;
	s0 =	simm.s32 @!p2 $0x1;
	[bflag:$0x0] =	sbarrier.arrive $0xFFFF  }
0x32: {  	[tilespmem:s3], [sflag:$0x1] =	stream.indirect.gather @!p2 [hbm4b:s4+s20], $0x80, s2, s20, $0xb8;
	[tilespmem:$0x1C8C0] =	vst v63  }
0x33: {  	_ =	swait.ge @!p2 [sflag:s0], $0x4000  }
0x34: {  	s7 =	simm.s32 @p0 $0x1;
	s6 =	simm.s32 @p0 $0x0;
	[sflag:s0] =	ssyncset.done @!p2 $0x0  }
0x35: {  	s9 =	simm.s32 @p0 $0x80;
	s2 =	simm.s32 @p0 $0x5000;
	[sflag:s0] =	ssyncadd.s32 @!p2 $0xFFFFC000  }
0x36: {  	[tilespmem:s2], [sflag:$0x1] =	stream.indirect.gather @p0 [hbm4b:s5+s9], $0x80, s6, s9, $0xb8;
	[tilespmem:$0x1C8C0] =	vst v63  }
0x37: {  	_ =	swait.ge @p0 [sflag:s7], $0x4000  }
0x38: {  	[sflag:s7] =	ssyncset.done @p0 $0x0  }
0x39: {  	s13 =	simm.s32 $0x2800;
	[sflag:s7] =	ssyncadd.s32 @p0 $0xFFFFC000  }
0x3a: {  	[spmem:s1] =	stream.indirect.scatter.add.f32 [tilespmem:s24], [sflag:$0x2], $0x80, s13, s23, $0xb8;
	[tilespmem:$0x1C8C0] =	vst v63  }
0x3b: {  	s10 =	simm.s32 @!p2 $0x80;
	_ =	swait.ge [sflag:s19], $0x4000  }
0x3c: {  	s8 =	simm.s32 $0x400;
	s6 =	simm.s32 $0x200;
	[sflag:s19] =	ssyncset.done $0x0  }
.LBB2_2:
0x3d: {  	[sflag:s19] =	ssyncadd.s32 $0xFFFFC000;
	s12 =	smov.u32 s8  }
0x3e: {  	[tilespmem:s3], [sflag:$0x1] =	stream.indirect.gather @!p2 [hbm4b:s4+s20], $0x80, s10, s20, $0xb8;
	[tilespmem:$0x1C8C0] =	vst v63  }
0x3f: {  	s8 =	sadd.s32 $0x200, s8;
	s10 =	sshra.s32 @!p2 s12, $0x2;
	_ =	swait.ge @!p2 [sflag:s0], $0x4000  }
0x40: {  	[sflag:s0] =	ssyncset.done @!p2 $0x0  }
0x41: {  	s13 =	sshra.s32 @p0 s6, $0x2;
	[sflag:s0] =	ssyncadd.s32 @!p2 $0xFFFFC000  }
0x42: {  	[tilespmem:s2], [sflag:$0x1] =	stream.indirect.gather @p0 [hbm4b:s5+s9], $0x80, s13, s9, $0xb8;
	[tilespmem:$0x1C8C0] =	vst v63  }
0x43: {  	p4 =	sne.s32 s8, $0x9E00;
	_ =	swait.ge @p0 [sflag:s7], $0x4000  }
.Ltmp0:
0x44: {  	s6 =	sshra.s32 s6, $0x2;
	[sflag:s7] =	ssyncset.done @p0 $0x0;
	(pc) =	sbr.rel @p4 .LBB2_2-.Ltmp0, $4  }
0x45: {  	s13 =	sadd.s32 $0x2800, s6;
	s6 =	smov.u32 s12;
	[sflag:s7] =	ssyncadd.s32 @p0 $0xFFFFC000  }
0x46: {  	[spmem:s1] =	stream.indirect.scatter.add.f32 [tilespmem:s24], [sflag:$0x2], $0x80, s13, s23, $0xb8;
	[tilespmem:$0x1C8C0] =	vst v63  }
0x47: {  	_ =	swait.ge [sflag:s19], $0x4000  }
0x48: {  	[sflag:s19] =	ssyncset.done $0x0  }
0x49: {  	s2 =	simm.s32 @!p2 $0x80;
	s3 =	simm.s32 @!p2 $0x5000;
	[sflag:s19] =	ssyncadd.s32 $0xFFFFC000  }
0x4a: {  	[tilespmem:s3], [sflag:$0x1] =	stream.indirect.gather @!p2 [hbm4b:s4+s2], $0x80, s10, s2, $0xb8;
	[tilespmem:$0x1C8C0] =	vst v63  }
0x4b: {  	_ =	swait.ge @!p2 [sflag:s0], $0x4000  }
0x4c: {  	s7 =	simm.s32 @p0 $0x80;
	s2 =	simm.s32 @p0 $0x5000;
	[sflag:s0] =	ssyncset.done @!p2 $0x0  }
0x4d: {  	s3 =	simm.s32 @p0 $0x1;
	[sflag:s0] =	ssyncadd.s32 @!p2 $0xFFFFC000;
	s0 =	sshra.s32 @p0 s6, $0x2  }
0x4e: {  	[tilespmem:s2], [sflag:$0x1] =	stream.indirect.gather @p0 [hbm4b:s5+s7], $0x80, s0, s7, $0xb8;
	[tilespmem:$0x1C8C0] =	vst v63  }
0x4f: {  	_ =	swait.ge @p0 [sflag:s3], $0x4000  }
0x50: {  	s20 =	sshra.s32 s6, $0x2;
	[sflag:s3] =	ssyncset.done @p0 $0x0  }
0x51: {  	s0 =	sadd.s32 $0x2800, s20;
	[sflag:s3] =	ssyncadd.s32 @p0 $0xFFFFC000  }
0x52: {  	[spmem:s1] =	stream.indirect.scatter.add.f32 [tilespmem:s24], [sflag:$0x2], $0x80, s0, s23, $0xb8;
	[tilespmem:$0x1C8C0] =	vst v63  }
0x53: {  	_ =	swait.ge [sflag:s19], $0x4000  }
0x54: {  	[sflag:s19] =	ssyncset.done $0x0  }
0x55: {  	[sflag:s19] =	ssyncadd.s32 $0xFFFFC000  }
0x56: {  	[bflag:$0x0] =	sbarrier.arrive $0xFFFF  }
0x57: {  	s0 =	rddreg [dreg:$0x9]  }
0x58: {  	[hbm:s0], [sflag:s21] =	dma.local @!p2 [spmem:s22], $0x2700  }
0x59: {  	s0 =	simm.s32 @!p2 $0x2  }
0x5a: {  	_ =	swait.ge @!p2 [sflag:s0], $0x2700  }
0x5b: {  	[sflag:s0] =	ssyncset.done @!p2 $0x0  }
0x5c: {  	[sflag:s0] =	ssyncadd.s32 @!p2 $0xFFFFD900;
	s0 =	simm.s32 @p0 $0x2  }
0x5d: {  	[hbm:s15], [sflag:s26] =	dma.local @p0 [spmem:s28], $0x2700  }
0x5e: {  	_ =	swait.ge @p0 [sflag:s0], $0x2700  }
0x5f: {  	[sflag:s0] =	ssyncset.done @p0 $0x0  }
0x60: {  	[sflag:s0] =	ssyncadd.s32 @p0 $0xFFFFD900;
	s0 =	simm.s32 @!p3 $0x2  }
0x61: {  	[hbm:s16], [sflag:s29] =	dma.local @!p3 [spmem:s30], $0x100  }
0x62: {  	_ =	swait.ge @!p3 [sflag:s0], $0x100  }
0x63: {  	s25 =	sadd.s32 $0x1, s25;
	[sflag:s0] =	ssyncset.done @!p3 $0x0  }
0x64: {  	p4 =	sne.s32 s25, s18;
	[sflag:s0] =	ssyncadd.s32 @!p3 $0xFFFFFF00;
	s0 =	simm.s32 @p1 $0x1C02  }
0x65: {  	[hbm:s17], [sflag:s0] =	dma.local @p1 [spmem:s31], $0x100  }
.Ltmp1:
0x66: {  	_ = 	snop;
	(pc) =	sbr.rel @p4 .LBB2_1-.Ltmp1, $4  }
0x67: {  	s0 =	simm.s32 @p1 $0x2  }
0x68: {  	_ =	swait.ge @p1 [sflag:s0], $0x100  }
0x69: {  	[sflag:s0] =	ssyncset.done @p1 $0x0  }
0x6a: {  	[sflag:s0] =	ssyncadd.s32 @p1 $0xFFFFFF00  }
0x6b: {  	_ =	sfence.sel $0x180000  }
0x6c: {  	[bflag:$0x0] =	sbarrier.arrive $0xFFFF  }
0x6d: {  	_ =	strace $0x9000004A  }
0x6e: {  	s0 =	stileid.u32;
	[bflag:$0x2] =	sbarrier.arrive $0xFFFF  }
0x6f: {  	p0 =	sne.s32 s0, $0x0;
	s0 =	rddreg [dreg:$0x2]  }
0x70: {  	s0 =	sadd.s32 @!p0 $0x100000, s0  }
0x71: {  	[sflag:s0] =	ssyncadd.tile.s32 @!p0 $0x1;
	_ =	shalt  }
.Lfunc_end2:
_tile_overlayer_lowered:
.L_overlay_start_2:
0x72: {  	(tag) =	ssettag $0x2  }
0x73: {  	s0 =	rddreg [dreg:$0x0];
	s2 =	stileid.u32  }
0x74: {  	s1 =	rddreg [dreg:$0x1];
	p0 =	sne.s32 s2, $0x0  }
0x75: {  	s3 =	rddreg [dreg:$0x2];
	[bflag:$0x3] =	sbarrier.arrive $0xFFFF;
	s2 =	simm.s32 @!p0 $0x1C02  }
0x76: {  	[timem:s3], [sflag:s2] =	dma.local @!p0 [hbm:s0], s1  }
0x77: {  	s0 =	simm.s32 @!p0 $0x2  }
0x78: {  	_ =	swait.ge @!p0 [sflag:s0], s1  }
0x79: {  	s1 =	ssub.s32 @!p0 $0x0, s1;
	[sflag:s0] =	ssyncset.done @!p0 $0x0  }
0x7a: {  	[sflag:s0] =	ssyncadd.s32 @!p0 s1  }
0x7b: {  	[bflag:$0x3] =	sbarrier.arrive $0xFFFF  }
0x7c: {  	_ =	shalt  }

</sc_bundles>
